<compile_context>
chip_gen: v7x
topology: tpu7x:2x2x1
jax: 0.10.2.dev20260603
libtpu: 0.0.44.dev20260713+nightly
codegen_flags: <defaults>
</compile_context>

<pallas_src>
import functools

import jax
import jax.numpy as jnp
from jax import lax
from jax.experimental import pallas as pl
from jax.experimental.pallas import tpu as pltpu
from jax.experimental.pallas import tpu_sc as plsc

NC = 2
NS = 16
NW = NC * NS
L = 16
GCHUNK = 128


def _sc_loss(y_h, x_h, x1y_h, x1x_h, m1_h, m2_h, pd_h, out_h,
             yv, xv, f1y, f1x, mm1, mm2, idx, idy, vdx, vdy, part,
             sem_in, sem_g, *, P, N, Hd, Wd):
    wid = lax.axis_index("s") * NC + lax.axis_index("c")
    base = wid * P
    b = base // N
    plane = Hd * Wd
    bias_dx = b * (2 * plane)

    cps = [
        pltpu.async_copy(y_h.at[pl.ds(base, P)], yv, sem_in),
        pltpu.async_copy(x_h.at[pl.ds(base, P)], xv, sem_in),
        pltpu.async_copy(x1y_h.at[pl.ds(base, P)], f1y, sem_in),
        pltpu.async_copy(x1x_h.at[pl.ds(base, P)], f1x, sem_in),
        pltpu.async_copy(m1_h.at[pl.ds(base, P)], mm1, sem_in),
        pltpu.async_copy(m2_h.at[pl.ds(base, P)], mm2, sem_in),
    ]
    cps[0].wait()
    cps[1].wait()

    kpr = GCHUNK // L

    def body1(i, carry):
        off = pl.multiple_of(i * L, L)
        yc = jnp.clip(yv[pl.ds(off, L)], 0, Hd - 1)
        xc = jnp.clip(xv[pl.ds(off, L)], 0, Wd - 1)
        lin = bias_dx + yc * Wd + xc
        j = i // kpr
        koff = pl.multiple_of((i % kpr) * L, L)
        idx[j, pl.ds(koff, L)] = lin
        idy[j, pl.ds(koff, L)] = lin + plane
        return carry

    lax.fori_loop(0, P // L, body1, 0)

    descs = []
    for j in range(P // GCHUNK):
        descs.append(pltpu.async_copy(pd_h.at[idx.at[j]], vdx.at[j], sem_g))
        descs.append(pltpu.async_copy(pd_h.at[idy.at[j]], vdy.at[j], sem_g))
    for c in cps[2:]:
        c.wait()
    for d in descs:
        d.wait()

    def body2(i, acc):
        off = pl.multiple_of(i * L, L)
        j = i // kpr
        koff = pl.multiple_of((i % kpr) * L, L)
        dxv = vdx[j, pl.ds(koff, L)]
        dyv = vdy[j, pl.ds(koff, L)]
        yc = yv[pl.ds(off, L)].astype(jnp.float32)
        xc = xv[pl.ds(off, L)].astype(jnp.float32)
        m = (mm1[pl.ds(off, L)] * mm2[pl.ds(off, L)]).astype(jnp.float32)
        e0 = yc + dxv - f1y[pl.ds(off, L)]
        e1 = xc + dyv - f1x[pl.ds(off, L)]
        return acc + m * (e0 * e0 + e1 * e1)

    acc = lax.fori_loop(0, P // L, body2, jnp.zeros((L,), jnp.float32))
    part[...] = acc
    pltpu.sync_copy(part, out_h.at[wid])


def kernel(x1, x2, kp1_mask, kp2_mask, pixel_delta, H, W):
    B, N, _ = x2.shape
    _, _, Hd, Wd = pixel_delta.shape
    P = (B * N) // NW
    assert (B * N) % NW == 0 and N % P == 0 and P % GCHUNK == 0

    y_idx = x2[:, :, 0].reshape(-1)
    x_idx = x2[:, :, 1].reshape(-1)
    x1y = x1[:, :, 0].reshape(-1)
    x1x = x1[:, :, 1].reshape(-1)
    m1 = kp1_mask.reshape(-1).astype(jnp.int32)
    m2 = kp2_mask.reshape(-1).astype(jnp.int32)
    pd = pixel_delta.reshape(-1)

    mesh = plsc.VectorSubcoreMesh(
        core_axis_name="c", subcore_axis_name="s",
        num_cores=NC, num_subcores=NS)
    G = P // GCHUNK

    run = functools.partial(
        pl.kernel,
        out_type=jax.ShapeDtypeStruct((NW, L), jnp.float32),
        mesh=mesh,
        scratch_types=[
            pltpu.VMEM((P,), jnp.int32),
            pltpu.VMEM((P,), jnp.int32),
            pltpu.VMEM((P,), jnp.float32),
            pltpu.VMEM((P,), jnp.float32),
            pltpu.VMEM((P,), jnp.int32),
            pltpu.VMEM((P,), jnp.int32),
            pltpu.VMEM((G, GCHUNK), jnp.int32),
            pltpu.VMEM((G, GCHUNK), jnp.int32),
            pltpu.VMEM((G, GCHUNK), jnp.float32),
            pltpu.VMEM((G, GCHUNK), jnp.float32),
            pltpu.VMEM((L,), jnp.float32),
            pltpu.SemaphoreType.DMA,
            pltpu.SemaphoreType.DMA,
        ],
    )(functools.partial(_sc_loss, P=P, N=N, Hd=Hd, Wd=Wd))

    partials = run(y_idx, x_idx, x1y, x1x, m1, m2, pd)
    return jnp.sum(partials) / (B * N * 2)

# --- scband reference (transcript-rebuilt; emitter-appended) ---
"""Pipeline reference for scband-pixel-displacement-loss-29815662969466 (READ-ONLY COPY).

The authoritative reference and input builder live on the scoring server;
editing this copy changes nothing except your own understanding.
"""

import jax, jax.numpy as jnp
import numpy as np

B, N, H_DIM, W_DIM = 16, 4096, 512, 512

def setup_inputs(seed: int = 0):
    key = jax.random.key(seed)
    k1, k2, k3, k4, k5 = jax.random.split(key, 5)
    x1 = jax.random.uniform(k1, (B, N, 2), dtype=jnp.float32) * float(W_DIM - 1)
    x2 = jax.random.randint(k2, (B, N, 2), 0, W_DIM, dtype=jnp.int32)
    kp1_mask = jax.random.randint(k3, (B, N), 0, 2, dtype=jnp.int32).astype(bool)
    kp2_mask = jax.random.randint(k4, (B, N), 0, 2, dtype=jnp.int32).astype(bool)
    pixel_delta = jax.random.normal(k5, (B, 2, H_DIM, W_DIM), dtype=jnp.float32)
    return {"x1": x1, "x2": x2, "kp1_mask": kp1_mask, "kp2_mask": kp2_mask, "pixel_delta": pixel_delta, "H": H_DIM, "W": W_DIM}

def reference(x1, x2, kp1_mask, kp2_mask, pixel_delta, H=224, W=224):
    Bd, Nd, _ = x2.shape
    y = jnp.clip(x2[:, :, 0], 0, H - 1)
    x = jnp.clip(x2[:, :, 1], 0, W - 1)
    dx = pixel_delta[:, 0, :, :]
    dy = pixel_delta[:, 1, :, :]
    batch_idx = jnp.broadcast_to(jnp.arange(Bd)[:, None], (Bd, Nd))
    disp_x = dx[batch_idx, y, x]
    disp_y = dy[batch_idx, y, x]
    displacements = jnp.stack([disp_x, disp_y], axis=-1)
    mask = (kp1_mask & kp2_mask)
    valid_displacements = displacements * mask[:, :, None]
    valid_x2 = (x2 * mask[:, :, None]).astype(jnp.float32)
    valid_x1 = x1 * mask[:, :, None]
    pred_x1 = valid_x2 + valid_displacements
    return jnp.mean((pred_x1 - valid_x1) ** 2)

if __name__ == "__main__":
    import jax
    _d = setup_inputs()
    print(jax.jit(kernel)(*tuple(_d.values())))

</pallas_src>

<mosaic_0001>
#map = affine_map<(d0, d1) -> (0)>
#map1 = affine_map<(d0, d1) -> (0, 0)>
module attributes {stable_mosaic.version = 14 : i64} {
  func.func @_sc_loss(%arg0: i32, %arg1: i32, %arg2: memref<65536xi32, #tpu.memory_space<hbm>>, %arg3: memref<65536xi32, #tpu.memory_space<hbm>>, %arg4: memref<65536xf32, #tpu.memory_space<hbm>>, %arg5: memref<65536xf32, #tpu.memory_space<hbm>>, %arg6: memref<65536xi32, #tpu.memory_space<hbm>>, %arg7: memref<65536xi32, #tpu.memory_space<hbm>>, %arg8: memref<8388608xf32, #tpu.memory_space<hbm>>, %arg9: memref<32x16xf32, #tpu.memory_space<hbm>>, %arg10: memref<2048xi32, #tpu.memory_space<vmem>>, %arg11: memref<2048xi32, #tpu.memory_space<vmem>>, %arg12: memref<2048xf32, #tpu.memory_space<vmem>>, %arg13: memref<2048xf32, #tpu.memory_space<vmem>>, %arg14: memref<2048xi32, #tpu.memory_space<vmem>>, %arg15: memref<2048xi32, #tpu.memory_space<vmem>>, %arg16: memref<16x128xi32, #tpu.memory_space<vmem>>, %arg17: memref<16x128xi32, #tpu.memory_space<vmem>>, %arg18: memref<16x128xf32, #tpu.memory_space<vmem>>, %arg19: memref<16x128xf32, #tpu.memory_space<vmem>>, %arg20: memref<16xf32, #tpu.memory_space<vmem>>, %arg21: memref<!tpu.dma_semaphore, #tpu.memory_space<semaphore_mem>>, %arg22: memref<!tpu.dma_semaphore, #tpu.memory_space<semaphore_mem>>) attributes {dimension_semantics = [#tpu.dimension_semantics<core_parallel>, #tpu.dimension_semantics<subcore_parallel>], iteration_bounds = array<i64: 2, 16>, scalar_prefetch = 0 : i64, scratch_operands = 13 : i64, tpu.core_type = #tpu.core_type<sc_vector_subcore>, window_params = [{transform_indices = #map}, {transform_indices = #map}, {transform_indices = #map}, {transform_indices = #map}, {transform_indices = #map}, {transform_indices = #map}, {transform_indices = #map}, {transform_indices = #map1}]} {
    %mul3A = arith.constant 2 : i32
    %mul3A_0 = arith.muli %arg1, %mul3A : i32
    %add3A = arith.addi %mul3A_0, %arg0 : i32
    %mul3A_1 = arith.constant 2048 : i32
    %mul3A_2 = arith.muli %add3A, %mul3A_1 : i32
    %jit3A = arith.constant 4096 : i32
    %div3A = arith.divsi %mul3A_2, %jit3A : i32
    %sign3A = arith.constant 0 : i32
    %sign3A_3 = arith.cmpi sgt, %mul3A_2, %sign3A : i32
    %sign3A_4 = arith.extui %sign3A_3 : i1 to i32
    %sign3A_5 = arith.constant 0 : i32
    %sign3A_6 = arith.cmpi slt, %mul3A_2, %sign3A_5 : i32
    %sign3A_7 = arith.extui %sign3A_6 : i1 to i32
    %sign3A_8 = arith.subi %sign3A_4, %sign3A_7 : i32
    %sign3A_9 = arith.constant 0 : i32
    %sign3A_10 = arith.cmpi sgt, %jit3A, %sign3A_9 : i32
    %sign3A_11 = arith.extui %sign3A_10 : i1 to i32
    %sign3A_12 = arith.constant 0 : i32
    %sign3A_13 = arith.cmpi slt, %jit3A, %sign3A_12 : i32
    %sign3A_14 = arith.extui %sign3A_13 : i1 to i32
    %sign3A_15 = arith.subi %sign3A_11, %sign3A_14 : i32
    %ne3A = arith.cmpi ne, %sign3A_8, %sign3A_15 : i32
    %rem3A = arith.remsi %mul3A_2, %jit3A : i32
    %ne3A_16 = arith.constant 0 : i32
    %ne3A_17 = arith.cmpi ne, %rem3A, %ne3A_16 : i32
    %and3A = arith.andi %ne3A, %ne3A_17 : i1
    %sub3A = arith.constant 1 : i32
    %sub3A_18 = arith.subi %div3A, %sub3A : i32
    %select_n3A = arith.select %and3A, %sub3A_18, %div3A : i32
    %mul3A_19 = arith.constant 524288 : i32
    %mul3A_20 = arith.muli %select_n3A, %mul3A_19 : i32
    %dma_start3A = tpu.memref_slice %arg2[%mul3A_2] : memref<65536xi32, #tpu.memory_space<hbm>> -> memref<2048xi32, #tpu.memory_space<hbm>>
    %dma_start3A_21 = tpu.memref_slice %arg2[%mul3A_2] : memref<65536xi32, #tpu.memory_space<hbm>> -> memref<2048xi32, #tpu.memory_space<hbm>>
    tpu.enqueue_dma source(%dma_start3A_21 : memref<2048xi32, #tpu.memory_space<hbm>>) target(%arg10 : memref<2048xi32, #tpu.memory_space<vmem>>) target_semaphore(%arg21 : memref<!tpu.dma_semaphore, #tpu.memory_space<semaphore_mem>>)
    %dma_start3A_22 = tpu.memref_slice %arg3[%mul3A_2] : memref<65536xi32, #tpu.memory_space<hbm>> -> memref<2048xi32, #tpu.memory_space<hbm>>
    %dma_start3A_23 = tpu.memref_slice %arg3[%mul3A_2] : memref<65536xi32, #tpu.memory_space<hbm>> -> memref<2048xi32, #tpu.memory_space<hbm>>
    tpu.enqueue_dma source(%dma_start3A_23 : memref<2048xi32, #tpu.memory_space<hbm>>) target(%arg11 : memref<2048xi32, #tpu.memory_space<vmem>>) target_semaphore(%arg21 : memref<!tpu.dma_semaphore, #tpu.memory_space<semaphore_mem>>)
    %dma_start3A_24 = tpu.memref_slice %arg4[%mul3A_2] : memref<65536xf32, #tpu.memory_space<hbm>> -> memref<2048xf32, #tpu.memory_space<hbm>>
    %dma_start3A_25 = tpu.memref_slice %arg4[%mul3A_2] : memref<65536xf32, #tpu.memory_space<hbm>> -> memref<2048xf32, #tpu.memory_space<hbm>>
    tpu.enqueue_dma source(%dma_start3A_25 : memref<2048xf32, #tpu.memory_space<hbm>>) target(%arg12 : memref<2048xf32, #tpu.memory_space<vmem>>) target_semaphore(%arg21 : memref<!tpu.dma_semaphore, #tpu.memory_space<semaphore_mem>>)
    %dma_start3A_26 = tpu.memref_slice %arg5[%mul3A_2] : memref<65536xf32, #tpu.memory_space<hbm>> -> memref<2048xf32, #tpu.memory_space<hbm>>
    %dma_start3A_27 = tpu.memref_slice %arg5[%mul3A_2] : memref<65536xf32, #tpu.memory_space<hbm>> -> memref<2048xf32, #tpu.memory_space<hbm>>
    tpu.enqueue_dma source(%dma_start3A_27 : memref<2048xf32, #tpu.memory_space<hbm>>) target(%arg13 : memref<2048xf32, #tpu.memory_space<vmem>>) target_semaphore(%arg21 : memref<!tpu.dma_semaphore, #tpu.memory_space<semaphore_mem>>)
    %dma_start3A_28 = tpu.memref_slice %arg6[%mul3A_2] : memref<65536xi32, #tpu.memory_space<hbm>> -> memref<2048xi32, #tpu.memory_space<hbm>>
    %dma_start3A_29 = tpu.memref_slice %arg6[%mul3A_2] : memref<65536xi32, #tpu.memory_space<hbm>> -> memref<2048xi32, #tpu.memory_space<hbm>>
    tpu.enqueue_dma source(%dma_start3A_29 : memref<2048xi32, #tpu.memory_space<hbm>>) target(%arg14 : memref<2048xi32, #tpu.memory_space<vmem>>) target_semaphore(%arg21 : memref<!tpu.dma_semaphore, #tpu.memory_space<semaphore_mem>>)
    %dma_start3A_30 = tpu.memref_slice %arg7[%mul3A_2] : memref<65536xi32, #tpu.memory_space<hbm>> -> memref<2048xi32, #tpu.memory_space<hbm>>
    %dma_start3A_31 = tpu.memref_slice %arg7[%mul3A_2] : memref<65536xi32, #tpu.memory_space<hbm>> -> memref<2048xi32, #tpu.memory_space<hbm>>
    tpu.enqueue_dma source(%dma_start3A_31 : memref<2048xi32, #tpu.memory_space<hbm>>) target(%arg15 : memref<2048xi32, #tpu.memory_space<vmem>>) target_semaphore(%arg21 : memref<!tpu.dma_semaphore, #tpu.memory_space<semaphore_mem>>)
    %dma_wait3A = tpu.memref_slice %arg2[%mul3A_2] : memref<65536xi32, #tpu.memory_space<hbm>> -> memref<2048xi32, #tpu.memory_space<hbm>>
    %dma_wait3A_32 = tpu.memref_slice %arg2[%mul3A_2] : memref<65536xi32, #tpu.memory_space<hbm>> -> memref<2048xi32, #tpu.memory_space<hbm>>
    tpu.wait_dma2 semaphore(%arg21 : memref<!tpu.dma_semaphore, #tpu.memory_space<semaphore_mem>>) src(%dma_wait3A_32 : memref<2048xi32, #tpu.memory_space<hbm>>) dst(%arg10 : memref<2048xi32, #tpu.memory_space<vmem>>)
    %dma_wait3A_33 = tpu.memref_slice %arg3[%mul3A_2] : memref<65536xi32, #tpu.memory_space<hbm>> -> memref<2048xi32, #tpu.memory_space<hbm>>
    %dma_wait3A_34 = tpu.memref_slice %arg3[%mul3A_2] : memref<65536xi32, #tpu.memory_space<hbm>> -> memref<2048xi32, #tpu.memory_space<hbm>>
    tpu.wait_dma2 semaphore(%arg21 : memref<!tpu.dma_semaphore, #tpu.memory_space<semaphore_mem>>) src(%dma_wait3A_34 : memref<2048xi32, #tpu.memory_space<hbm>>) dst(%arg11 : memref<2048xi32, #tpu.memory_space<vmem>>)
    %scan3A = arith.constant 0 : i32
    %scan3A_35 = arith.constant 0 : i32
    %scan3A_36 = arith.constant 128 : i32
    %scan3A_37 = arith.addi %scan3A_35, %scan3A_36 : i32
    %scan3A_38 = arith.constant 1 : i32
    scf.for %scan3A_698 = %scan3A_35 to %scan3A_37 step %scan3A_38  : i32 {
      %mul3A_699 = arith.constant 16 : i32
      %mul3A_700 = arith.muli %scan3A_698, %mul3A_699 : i32
      %multiple_of3A = tpu.assume_multiple %mul3A_700, 16 : i32
      %get3A = arith.index_cast %multiple_of3A : i32 to index
      %get3A_701 = tpu.vector_load %arg10[%get3A] {strides = array<i32>} : memref<2048xi32, #tpu.memory_space<vmem>>, vector<16xi32>,
      %get3A_702 = vector.shape_cast %get3A_701 : vector<16xi32> to vector<16xi32>
      %jit3A_703 = arith.constant 0 : i32
      %jit3A_704 = arith.constant 511 : i32
      %max3A = vector.broadcast %jit3A_703 : i32 to vector<16xi32>
      %max3A_705 = arith.maxsi %max3A, %get3A_702 : vector<16xi32>
      %min3A = vector.broadcast %jit3A_704 : i32 to vector<16xi32>
      %min3A_706 = arith.minsi %min3A, %max3A_705 : vector<16xi32>
      %get3A_707 = arith.index_cast %multiple_of3A : i32 to index
      %get3A_708 = tpu.vector_load %arg11[%get3A_707] {strides = array<i32>} : memref<2048xi32, #tpu.memory_space<vmem>>, vector<16xi32>,
      %get3A_709 = vector.shape_cast %get3A_708 : vector<16xi32> to vector<16xi32>
      %jit3A_710 = arith.constant 0 : i32
      %jit3A_711 = arith.constant 511 : i32
      %max3A_712 = vector.broadcast %jit3A_710 : i32 to vector<16xi32>
      %max3A_713 = arith.maxsi %max3A_712, %get3A_709 : vector<16xi32>
      %min3A_714 = vector.broadcast %jit3A_711 : i32 to vector<16xi32>
      %min3A_715 = arith.minsi %min3A_714, %max3A_713 : vector<16xi32>
      %mul3A_716 = arith.constant 512 : i32
      %mul3A_717 = vector.broadcast %mul3A_716 : i32 to vector<16xi32>
      %mul3A_718 = arith.muli %min3A_706, %mul3A_717 : vector<16xi32>
      %add3A_719 = vector.broadcast %mul3A_20 : i32 to vector<16xi32>
      %add3A_720 = arith.addi %add3A_719, %mul3A_718 : vector<16xi32>
      %add3A_721 = arith.addi %add3A_720, %min3A_715 : vector<16xi32>
      %jit3A_722 = arith.constant 8 : i32
      %div3A_723 = arith.divsi %scan3A_698, %jit3A_722 : i32
      %sign3A_724 = arith.constant 0 : i32
      %sign3A_725 = arith.cmpi sgt, %scan3A_698, %sign3A_724 : i32
      %sign3A_726 = arith.extui %sign3A_725 : i1 to i32
      %sign3A_727 = arith.constant 0 : i32
      %sign3A_728 = arith.cmpi slt, %scan3A_698, %sign3A_727 : i32
      %sign3A_729 = arith.extui %sign3A_728 : i1 to i32
      %sign3A_730 = arith.subi %sign3A_726, %sign3A_729 : i32
      %sign3A_731 = arith.constant 0 : i32
      %sign3A_732 = arith.cmpi sgt, %jit3A_722, %sign3A_731 : i32
      %sign3A_733 = arith.extui %sign3A_732 : i1 to i32
      %sign3A_734 = arith.constant 0 : i32
      %sign3A_735 = arith.cmpi slt, %jit3A_722, %sign3A_734 : i32
      %sign3A_736 = arith.extui %sign3A_735 : i1 to i32
      %sign3A_737 = arith.subi %sign3A_733, %sign3A_736 : i32
      %ne3A_738 = arith.cmpi ne, %sign3A_730, %sign3A_737 : i32
      %rem3A_739 = arith.remsi %scan3A_698, %jit3A_722 : i32
      %ne3A_740 = arith.constant 0 : i32
      %ne3A_741 = arith.cmpi ne, %rem3A_739, %ne3A_740 : i32
      %and3A_742 = arith.andi %ne3A_738, %ne3A_741 : i1
      %sub3A_743 = arith.constant 1 : i32
      %sub3A_744 = arith.subi %div3A_723, %sub3A_743 : i32
      %select_n3A_745 = arith.select %and3A_742, %sub3A_744, %div3A_723 : i32
      %jit3A_746 = arith.constant 8 : i32
      %eq3A = arith.constant 0 : i32
      %eq3A_747 = arith.cmpi eq, %jit3A_746, %eq3A : i32
      %jit3A_748 = arith.constant 1 : i32
      %select_n3A_749 = arith.select %eq3A_747, %jit3A_748, %jit3A_746 : i32
      %rem3A_750 = arith.remsi %scan3A_698, %select_n3A_749 : i32
      %ne3A_751 = arith.constant 0 : i32
      %ne3A_752 = arith.cmpi ne, %rem3A_750, %ne3A_751 : i32
      %lt3A = arith.constant 0 : i32
      %lt3A_753 = arith.cmpi slt, %rem3A_750, %lt3A : i32
      %lt3A_754 = arith.constant 0 : i32
      %lt3A_755 = arith.cmpi slt, %select_n3A_749, %lt3A_754 : i32
      %ne3A_756 = arith.xori %lt3A_753, %lt3A_755 : i1
      %and3A_757 = arith.andi %ne3A_756, %ne3A_752 : i1
      %add3A_758 = arith.addi %rem3A_750, %select_n3A_749 : i32
      %select_n3A_759 = arith.select %and3A_757, %add3A_758, %rem3A_750 : i32
      %mul3A_760 = arith.constant 16 : i32
      %mul3A_761 = arith.muli %select_n3A_759, %mul3A_760 : i32
      %multiple_of3A_762 = tpu.assume_multiple %mul3A_761, 16 : i32
      %swap3A_763 = arith.index_cast %select_n3A_745 : i32 to index
      %swap3A_764 = arith.index_cast %multiple_of3A_762 : i32 to index
      %swap3A_765 = tpu.vector_load %arg16[%swap3A_763, %swap3A_764] {strides = array<i32>} : memref<16x128xi32, #tpu.memory_space<vmem>>, vector<1x16xi32>,
      %swap3A_766 = vector.shape_cast %swap3A_765 : vector<1x16xi32> to vector<16xi32>
      %swap3A_767 = vector.shape_cast %add3A_721 : vector<16xi32> to vector<1x16xi32>
      tpu.vector_store %arg16[%swap3A_763, %swap3A_764], %swap3A_767 {strides = array<i32>} : memref<16x128xi32, #tpu.memory_space<vmem>>, vector<1x16xi32>,
      %add3A_768 = arith.constant 262144 : i32
      %add3A_769 = vector.broadcast %add3A_768 : i32 to vector<16xi32>
      %add3A_770 = arith.addi %add3A_721, %add3A_769 : vector<16xi32>
      %swap3A_771 = arith.index_cast %select_n3A_745 : i32 to index
      %swap3A_772 = arith.index_cast %multiple_of3A_762 : i32 to index
      %swap3A_773 = tpu.vector_load %arg17[%swap3A_771, %swap3A_772] {strides = array<i32>} : memref<16x128xi32, #tpu.memory_space<vmem>>, vector<1x16xi32>,
      %swap3A_774 = vector.shape_cast %swap3A_773 : vector<1x16xi32> to vector<16xi32>
      %swap3A_775 = vector.shape_cast %add3A_770 : vector<16xi32> to vector<1x16xi32>
      tpu.vector_store %arg17[%swap3A_771, %swap3A_772], %swap3A_775 {strides = array<i32>} : memref<16x128xi32, #tpu.memory_space<vmem>>, vector<1x16xi32>,
    }
    %scan3A_39 = arith.constant 128 : i32
    %dma_start3A_40 = arith.constant 0 : i32
    %dma_start3A_41 = arith.constant 0 : i32
    %dma_start3A_42 = arith.constant 0 : i32
    %dma_start3A_43 = tpu.memref_slice %arg18[%dma_start3A_41, %dma_start3A_42] : memref<16x128xf32, #tpu.memory_space<vmem>> -> memref<1x128xf32, #tpu.memory_space<vmem>>
    %dma_start3A_44 = tpu.memref_squeeze %dma_start3A_43 : memref<1x128xf32, #tpu.memory_space<vmem>> -> memref<128xf32, #tpu.memory_space<vmem>>
    %dma_start3A_45 = arith.constant 0 : i32
    %dma_start3A_46 = tpu.memref_slice %arg16[%dma_start3A_40, %dma_start3A_45] : memref<16x128xi32, #tpu.memory_space<vmem>> -> memref<1x128xi32, #tpu.memory_space<vmem>>
    %dma_start3A_47 = tpu.memref_squeeze %dma_start3A_46 : memref<1x128xi32, #tpu.memory_space<vmem>> -> memref<128xi32, #tpu.memory_space<vmem>>
    %dma_start3A_48 = arith.constant 0 : i32
    %dma_start3A_49 = tpu.memref_slice %arg8[%dma_start3A_48] : memref<8388608xf32, #tpu.memory_space<hbm>> -> memref<8388608xf32, #tpu.memory_space<hbm>>
    tpu.enqueue_indirect_dma source(%dma_start3A_49 : memref<8388608xf32, #tpu.memory_space<hbm>>) target(%dma_start3A_44 : memref<128xf32, #tpu.memory_space<vmem>>) offsets(%dma_start3A_47 : memref<128xi32, #tpu.memory_space<vmem>>) semaphore(%arg22 : memref<!tpu.dma_semaphore, #tpu.memory_space<semaphore_mem>>)
    %dma_start3A_50 = arith.constant 0 : i32
    %dma_start3A_51 = arith.constant 0 : i32
    %dma_start3A_52 = arith.constant 0 : i32
    %dma_start3A_53 = tpu.memref_slice %arg19[%dma_start3A_51, %dma_start3A_52] : memref<16x128xf32, #tpu.memory_space<vmem>> -> memref<1x128xf32, #tpu.memory_space<vmem>>
    %dma_start3A_54 = tpu.memref_squeeze %dma_start3A_53 : memref<1x128xf32, #tpu.memory_space<vmem>> -> memref<128xf32, #tpu.memory_space<vmem>>
    %dma_start3A_55 = arith.constant 0 : i32
    %dma_start3A_56 = tpu.memref_slice %arg17[%dma_start3A_50, %dma_start3A_55] : memref<16x128xi32, #tpu.memory_space<vmem>> -> memref<1x128xi32, #tpu.memory_space<vmem>>
    %dma_start3A_57 = tpu.memref_squeeze %dma_start3A_56 : memref<1x128xi32, #tpu.memory_space<vmem>> -> memref<128xi32, #tpu.memory_space<vmem>>
    %dma_start3A_58 = arith.constant 0 : i32
    %dma_start3A_59 = tpu.memref_slice %arg8[%dma_start3A_58] : memref<8388608xf32, #tpu.memory_space<hbm>> -> memref<8388608xf32, #tpu.memory_space<hbm>>
    tpu.enqueue_indirect_dma source(%dma_start3A_59 : memref<8388608xf32, #tpu.memory_space<hbm>>) target(%dma_start3A_54 : memref<128xf32, #tpu.memory_space<vmem>>) offsets(%dma_start3A_57 : memref<128xi32, #tpu.memory_space<vmem>>) semaphore(%arg22 : memref<!tpu.dma_semaphore, #tpu.memory_space<semaphore_mem>>)
    %dma_start3A_60 = arith.constant 1 : i32
    %dma_start3A_61 = arith.constant 1 : i32
    %dma_start3A_62 = arith.constant 0 : i32
    %dma_start3A_63 = tpu.memref_slice %arg18[%dma_start3A_61, %dma_start3A_62] : memref<16x128xf32, #tpu.memory_space<vmem>> -> memref<1x128xf32, #tpu.memory_space<vmem>>
    %dma_start3A_64 = tpu.memref_squeeze %dma_start3A_63 : memref<1x128xf32, #tpu.memory_space<vmem>> -> memref<128xf32, #tpu.memory_space<vmem>>
    %dma_start3A_65 = arith.constant 0 : i32
    %dma_start3A_66 = tpu.memref_slice %arg16[%dma_start3A_60, %dma_start3A_65] : memref<16x128xi32, #tpu.memory_space<vmem>> -> memref<1x128xi32, #tpu.memory_space<vmem>>
    %dma_start3A_67 = tpu.memref_squeeze %dma_start3A_66 : memref<1x128xi32, #tpu.memory_space<vmem>> -> memref<128xi32, #tpu.memory_space<vmem>>
    %dma_start3A_68 = arith.constant 0 : i32
    %dma_start3A_69 = tpu.memref_slice %arg8[%dma_start3A_68] : memref<8388608xf32, #tpu.memory_space<hbm>> -> memref<8388608xf32, #tpu.memory_space<hbm>>
    tpu.enqueue_indirect_dma source(%dma_start3A_69 : memref<8388608xf32, #tpu.memory_space<hbm>>) target(%dma_start3A_64 : memref<128xf32, #tpu.memory_space<vmem>>) offsets(%dma_start3A_67 : memref<128xi32, #tpu.memory_space<vmem>>) semaphore(%arg22 : memref<!tpu.dma_semaphore, #tpu.memory_space<semaphore_mem>>)
    %dma_start3A_70 = arith.constant 1 : i32
    %dma_start3A_71 = arith.constant 1 : i32
    %dma_start3A_72 = arith.constant 0 : i32
    %dma_start3A_73 = tpu.memref_slice %arg19[%dma_start3A_71, %dma_start3A_72] : memref<16x128xf32, #tpu.memory_space<vmem>> -> memref<1x128xf32, #tpu.memory_space<vmem>>
    %dma_start3A_74 = tpu.memref_squeeze %dma_start3A_73 : memref<1x128xf32, #tpu.memory_space<vmem>> -> memref<128xf32, #tpu.memory_space<vmem>>
    %dma_start3A_75 = arith.constant 0 : i32
    %dma_start3A_76 = tpu.memref_slice %arg17[%dma_start3A_70, %dma_start3A_75] : memref<16x128xi32, #tpu.memory_space<vmem>> -> memref<1x128xi32, #tpu.memory_space<vmem>>
    %dma_start3A_77 = tpu.memref_squeeze %dma_start3A_76 : memref<1x128xi32, #tpu.memory_space<vmem>> -> memref<128xi32, #tpu.memory_space<vmem>>
    %dma_start3A_78 = arith.constant 0 : i32
    %dma_start3A_79 = tpu.memref_slice %arg8[%dma_start3A_78] : memref<8388608xf32, #tpu.memory_space<hbm>> -> memref<8388608xf32, #tpu.memory_space<hbm>>
    tpu.enqueue_indirect_dma source(%dma_start3A_79 : memref<8388608xf32, #tpu.memory_space<hbm>>) target(%dma_start3A_74 : memref<128xf32, #tpu.memory_space<vmem>>) offsets(%dma_start3A_77 : memref<128xi32, #tpu.memory_space<vmem>>) semaphore(%arg22 : memref<!tpu.dma_semaphore, #tpu.memory_space<semaphore_mem>>)
    %dma_start3A_80 = arith.constant 2 : i32
    %dma_start3A_81 = arith.constant 2 : i32
    %dma_start3A_82 = arith.constant 0 : i32
    %dma_start3A_83 = tpu.memref_slice %arg18[%dma_start3A_81, %dma_start3A_82] : memref<16x128xf32, #tpu.memory_space<vmem>> -> memref<1x128xf32, #tpu.memory_space<vmem>>
    %dma_start3A_84 = tpu.memref_squeeze %dma_start3A_83 : memref<1x128xf32, #tpu.memory_space<vmem>> -> memref<128xf32, #tpu.memory_space<vmem>>
    %dma_start3A_85 = arith.constant 0 : i32
    %dma_start3A_86 = tpu.memref_slice %arg16[%dma_start3A_80, %dma_start3A_85] : memref<16x128xi32, #tpu.memory_space<vmem>> -> memref<1x128xi32, #tpu.memory_space<vmem>>
    %dma_start3A_87 = tpu.memref_squeeze %dma_start3A_86 : memref<1x128xi32, #tpu.memory_space<vmem>> -> memref<128xi32, #tpu.memory_space<vmem>>
    %dma_start3A_88 = arith.constant 0 : i32
    %dma_start3A_89 = tpu.memref_slice %arg8[%dma_start3A_88] : memref<8388608xf32, #tpu.memory_space<hbm>> -> memref<8388608xf32, #tpu.memory_space<hbm>>
    tpu.enqueue_indirect_dma source(%dma_start3A_89 : memref<8388608xf32, #tpu.memory_space<hbm>>) target(%dma_start3A_84 : memref<128xf32, #tpu.memory_space<vmem>>) offsets(%dma_start3A_87 : memref<128xi32, #tpu.memory_space<vmem>>) semaphore(%arg22 : memref<!tpu.dma_semaphore, #tpu.memory_space<semaphore_mem>>)
    %dma_start3A_90 = arith.constant 2 : i32
    %dma_start3A_91 = arith.constant 2 : i32
    %dma_start3A_92 = arith.constant 0 : i32
    %dma_start3A_93 = tpu.memref_slice %arg19[%dma_start3A_91, %dma_start3A_92] : memref<16x128xf32, #tpu.memory_space<vmem>> -> memref<1x128xf32, #tpu.memory_space<vmem>>
    %dma_start3A_94 = tpu.memref_squeeze %dma_start3A_93 : memref<1x128xf32, #tpu.memory_space<vmem>> -> memref<128xf32, #tpu.memory_space<vmem>>
    %dma_start3A_95 = arith.constant 0 : i32
    %dma_start3A_96 = tpu.memref_slice %arg17[%dma_start3A_90, %dma_start3A_95] : memref<16x128xi32, #tpu.memory_space<vmem>> -> memref<1x128xi32, #tpu.memory_space<vmem>>
    %dma_start3A_97 = tpu.memref_squeeze %dma_start3A_96 : memref<1x128xi32, #tpu.memory_space<vmem>> -> memref<128xi32, #tpu.memory_space<vmem>>
    %dma_start3A_98 = arith.constant 0 : i32
    %dma_start3A_99 = tpu.memref_slice %arg8[%dma_start3A_98] : memref<8388608xf32, #tpu.memory_space<hbm>> -> memref<8388608xf32, #tpu.memory_space<hbm>>
    tpu.enqueue_indirect_dma source(%dma_start3A_99 : memref<8388608xf32, #tpu.memory_space<hbm>>) target(%dma_start3A_94 : memref<128xf32, #tpu.memory_space<vmem>>) offsets(%dma_start3A_97 : memref<128xi32, #tpu.memory_space<vmem>>) semaphore(%arg22 : memref<!tpu.dma_semaphore, #tpu.memory_space<semaphore_mem>>)
    %dma_start3A_100 = arith.constant 3 : i32
    %dma_start3A_101 = arith.constant 3 : i32
    %dma_start3A_102 = arith.constant 0 : i32
    %dma_start3A_103 = tpu.memref_slice %arg18[%dma_start3A_101, %dma_start3A_102] : memref<16x128xf32, #tpu.memory_space<vmem>> -> memref<1x128xf32, #tpu.memory_space<vmem>>
    %dma_start3A_104 = tpu.memref_squeeze %dma_start3A_103 : memref<1x128xf32, #tpu.memory_space<vmem>> -> memref<128xf32, #tpu.memory_space<vmem>>
    %dma_start3A_105 = arith.constant 0 : i32
    %dma_start3A_106 = tpu.memref_slice %arg16[%dma_start3A_100, %dma_start3A_105] : memref<16x128xi32, #tpu.memory_space<vmem>> -> memref<1x128xi32, #tpu.memory_space<vmem>>
    %dma_start3A_107 = tpu.memref_squeeze %dma_start3A_106 : memref<1x128xi32, #tpu.memory_space<vmem>> -> memref<128xi32, #tpu.memory_space<vmem>>
    %dma_start3A_108 = arith.constant 0 : i32
    %dma_start3A_109 = tpu.memref_slice %arg8[%dma_start3A_108] : memref<8388608xf32, #tpu.memory_space<hbm>> -> memref<8388608xf32, #tpu.memory_space<hbm>>
    tpu.enqueue_indirect_dma source(%dma_start3A_109 : memref<8388608xf32, #tpu.memory_space<hbm>>) target(%dma_start3A_104 : memref<128xf32, #tpu.memory_space<vmem>>) offsets(%dma_start3A_107 : memref<128xi32, #tpu.memory_space<vmem>>) semaphore(%arg22 : memref<!tpu.dma_semaphore, #tpu.memory_space<semaphore_mem>>)
    %dma_start3A_110 = arith.constant 3 : i32
    %dma_start3A_111 = arith.constant 3 : i32
    %dma_start3A_112 = arith.constant 0 : i32
    %dma_start3A_113 = tpu.memref_slice %arg19[%dma_start3A_111, %dma_start3A_112] : memref<16x128xf32, #tpu.memory_space<vmem>> -> memref<1x128xf32, #tpu.memory_space<vmem>>
    %dma_start3A_114 = tpu.memref_squeeze %dma_start3A_113 : memref<1x128xf32, #tpu.memory_space<vmem>> -> memref<128xf32, #tpu.memory_space<vmem>>
    %dma_start3A_115 = arith.constant 0 : i32
    %dma_start3A_116 = tpu.memref_slice %arg17[%dma_start3A_110, %dma_start3A_115] : memref<16x128xi32, #tpu.memory_space<vmem>> -> memref<1x128xi32, #tpu.memory_space<vmem>>
    %dma_start3A_117 = tpu.memref_squeeze %dma_start3A_116 : memref<1x128xi32, #tpu.memory_space<vmem>> -> memref<128xi32, #tpu.memory_space<vmem>>
    %dma_start3A_118 = arith.constant 0 : i32
    %dma_start3A_119 = tpu.memref_slice %arg8[%dma_start3A_118] : memref<8388608xf32, #tpu.memory_space<hbm>> -> memref<8388608xf32, #tpu.memory_space<hbm>>
    tpu.enqueue_indirect_dma source(%dma_start3A_119 : memref<8388608xf32, #tpu.memory_space<hbm>>) target(%dma_start3A_114 : memref<128xf32, #tpu.memory_space<vmem>>) offsets(%dma_start3A_117 : memref<128xi32, #tpu.memory_space<vmem>>) semaphore(%arg22 : memref<!tpu.dma_semaphore, #tpu.memory_space<semaphore_mem>>)
    %dma_start3A_120 = arith.constant 4 : i32
    %dma_start3A_121 = arith.constant 4 : i32
    %dma_start3A_122 = arith.constant 0 : i32
    %dma_start3A_123 = tpu.memref_slice %arg18[%dma_start3A_121, %dma_start3A_122] : memref<16x128xf32, #tpu.memory_space<vmem>> -> memref<1x128xf32, #tpu.memory_space<vmem>>
    %dma_start3A_124 = tpu.memref_squeeze %dma_start3A_123 : memref<1x128xf32, #tpu.memory_space<vmem>> -> memref<128xf32, #tpu.memory_space<vmem>>
    %dma_start3A_125 = arith.constant 0 : i32
    %dma_start3A_126 = tpu.memref_slice %arg16[%dma_start3A_120, %dma_start3A_125] : memref<16x128xi32, #tpu.memory_space<vmem>> -> memref<1x128xi32, #tpu.memory_space<vmem>>
    %dma_start3A_127 = tpu.memref_squeeze %dma_start3A_126 : memref<1x128xi32, #tpu.memory_space<vmem>> -> memref<128xi32, #tpu.memory_space<vmem>>
    %dma_start3A_128 = arith.constant 0 : i32
    %dma_start3A_129 = tpu.memref_slice %arg8[%dma_start3A_128] : memref<8388608xf32, #tpu.memory_space<hbm>> -> memref<8388608xf32, #tpu.memory_space<hbm>>
    tpu.enqueue_indirect_dma source(%dma_start3A_129 : memref<8388608xf32, #tpu.memory_space<hbm>>) target(%dma_start3A_124 : memref<128xf32, #tpu.memory_space<vmem>>) offsets(%dma_start3A_127 : memref<128xi32, #tpu.memory_space<vmem>>) semaphore(%arg22 : memref<!tpu.dma_semaphore, #tpu.memory_space<semaphore_mem>>)
    %dma_start3A_130 = arith.constant 4 : i32
    %dma_start3A_131 = arith.constant 4 : i32
    %dma_start3A_132 = arith.constant 0 : i32
    %dma_start3A_133 = tpu.memref_slice %arg19[%dma_start3A_131, %dma_start3A_132] : memref<16x128xf32, #tpu.memory_space<vmem>> -> memref<1x128xf32, #tpu.memory_space<vmem>>
    %dma_start3A_134 = tpu.memref_squeeze %dma_start3A_133 : memref<1x128xf32, #tpu.memory_space<vmem>> -> memref<128xf32, #tpu.memory_space<vmem>>
    %dma_start3A_135 = arith.constant 0 : i32
    %dma_start3A_136 = tpu.memref_slice %arg17[%dma_start3A_130, %dma_start3A_135] : memref<16x128xi32, #tpu.memory_space<vmem>> -> memref<1x128xi32, #tpu.memory_space<vmem>>
    %dma_start3A_137 = tpu.memref_squeeze %dma_start3A_136 : memref<1x128xi32, #tpu.memory_space<vmem>> -> memref<128xi32, #tpu.memory_space<vmem>>
    %dma_start3A_138 = arith.constant 0 : i32
    %dma_start3A_139 = tpu.memref_slice %arg8[%dma_start3A_138] : memref<8388608xf32, #tpu.memory_space<hbm>> -> memref<8388608xf32, #tpu.memory_space<hbm>>
    tpu.enqueue_indirect_dma source(%dma_start3A_139 : memref<8388608xf32, #tpu.memory_space<hbm>>) target(%dma_start3A_134 : memref<128xf32, #tpu.memory_space<vmem>>) offsets(%dma_start3A_137 : memref<128xi32, #tpu.memory_space<vmem>>) semaphore(%arg22 : memref<!tpu.dma_semaphore, #tpu.memory_space<semaphore_mem>>)
    %dma_start3A_140 = arith.constant 5 : i32
    %dma_start3A_141 = arith.constant 5 : i32
    %dma_start3A_142 = arith.constant 0 : i32
    %dma_start3A_143 = tpu.memref_slice %arg18[%dma_start3A_141, %dma_start3A_142] : memref<16x128xf32, #tpu.memory_space<vmem>> -> memref<1x128xf32, #tpu.memory_space<vmem>>
    %dma_start3A_144 = tpu.memref_squeeze %dma_start3A_143 : memref<1x128xf32, #tpu.memory_space<vmem>> -> memref<128xf32, #tpu.memory_space<vmem>>
    %dma_start3A_145 = arith.constant 0 : i32
    %dma_start3A_146 = tpu.memref_slice %arg16[%dma_start3A_140, %dma_start3A_145] : memref<16x128xi32, #tpu.memory_space<vmem>> -> memref<1x128xi32, #tpu.memory_space<vmem>>
    %dma_start3A_147 = tpu.memref_squeeze %dma_start3A_146 : memref<1x128xi32, #tpu.memory_space<vmem>> -> memref<128xi32, #tpu.memory_space<vmem>>
    %dma_start3A_148 = arith.constant 0 : i32
    %dma_start3A_149 = tpu.memref_slice %arg8[%dma_start3A_148] : memref<8388608xf32, #tpu.memory_space<hbm>> -> memref<8388608xf32, #tpu.memory_space<hbm>>
    tpu.enqueue_indirect_dma source(%dma_start3A_149 : memref<8388608xf32, #tpu.memory_space<hbm>>) target(%dma_start3A_144 : memref<128xf32, #tpu.memory_space<vmem>>) offsets(%dma_start3A_147 : memref<128xi32, #tpu.memory_space<vmem>>) semaphore(%arg22 : memref<!tpu.dma_semaphore, #tpu.memory_space<semaphore_mem>>)
    %dma_start3A_150 = arith.constant 5 : i32
    %dma_start3A_151 = arith.constant 5 : i32
    %dma_start3A_152 = arith.constant 0 : i32
    %dma_start3A_153 = tpu.memref_slice %arg19[%dma_start3A_151, %dma_start3A_152] : memref<16x128xf32, #tpu.memory_space<vmem>> -> memref<1x128xf32, #tpu.memory_space<vmem>>
    %dma_start3A_154 = tpu.memref_squeeze %dma_start3A_153 : memref<1x128xf32, #tpu.memory_space<vmem>> -> memref<128xf32, #tpu.memory_space<vmem>>
    %dma_start3A_155 = arith.constant 0 : i32
    %dma_start3A_156 = tpu.memref_slice %arg17[%dma_start3A_150, %dma_start3A_155] : memref<16x128xi32, #tpu.memory_space<vmem>> -> memref<1x128xi32, #tpu.memory_space<vmem>>
    %dma_start3A_157 = tpu.memref_squeeze %dma_start3A_156 : memref<1x128xi32, #tpu.memory_space<vmem>> -> memref<128xi32, #tpu.memory_space<vmem>>
    %dma_start3A_158 = arith.constant 0 : i32
    %dma_start3A_159 = tpu.memref_slice %arg8[%dma_start3A_158] : memref<8388608xf32, #tpu.memory_space<hbm>> -> memref<8388608xf32, #tpu.memory_space<hbm>>
    tpu.enqueue_indirect_dma source(%dma_start3A_159 : memref<8388608xf32, #tpu.memory_space<hbm>>) target(%dma_start3A_154 : memref<128xf32, #tpu.memory_space<vmem>>) offsets(%dma_start3A_157 : memref<128xi32, #tpu.memory_space<vmem>>) semaphore(%arg22 : memref<!tpu.dma_semaphore, #tpu.memory_space<semaphore_mem>>)
    %dma_start3A_160 = arith.constant 6 : i32
    %dma_start3A_161 = arith.constant 6 : i32
    %dma_start3A_162 = arith.constant 0 : i32
    %dma_start3A_163 = tpu.memref_slice %arg18[%dma_start3A_161, %dma_start3A_162] : memref<16x128xf32, #tpu.memory_space<vmem>> -> memref<1x128xf32, #tpu.memory_space<vmem>>
    %dma_start3A_164 = tpu.memref_squeeze %dma_start3A_163 : memref<1x128xf32, #tpu.memory_space<vmem>> -> memref<128xf32, #tpu.memory_space<vmem>>
    %dma_start3A_165 = arith.constant 0 : i32
    %dma_start3A_166 = tpu.memref_slice %arg16[%dma_start3A_160, %dma_start3A_165] : memref<16x128xi32, #tpu.memory_space<vmem>> -> memref<1x128xi32, #tpu.memory_space<vmem>>
    %dma_start3A_167 = tpu.memref_squeeze %dma_start3A_166 : memref<1x128xi32, #tpu.memory_space<vmem>> -> memref<128xi32, #tpu.memory_space<vmem>>
    %dma_start3A_168 = arith.constant 0 : i32
    %dma_start3A_169 = tpu.memref_slice %arg8[%dma_start3A_168] : memref<8388608xf32, #tpu.memory_space<hbm>> -> memref<8388608xf32, #tpu.memory_space<hbm>>
    tpu.enqueue_indirect_dma source(%dma_start3A_169 : memref<8388608xf32, #tpu.memory_space<hbm>>) target(%dma_start3A_164 : memref<128xf32, #tpu.memory_space<vmem>>) offsets(%dma_start3A_167 : memref<128xi32, #tpu.memory_space<vmem>>) semaphore(%arg22 : memref<!tpu.dma_semaphore, #tpu.memory_space<semaphore_mem>>)
    %dma_start3A_170 = arith.constant 6 : i32
    %dma_start3A_171 = arith.constant 6 : i32
    %dma_start3A_172 = arith.constant 0 : i32
    %dma_start3A_173 = tpu.memref_slice %arg19[%dma_start3A_171, %dma_start3A_172] : memref<16x128xf32, #tpu.memory_space<vmem>> -> memref<1x128xf32, #tpu.memory_space<vmem>>
    %dma_start3A_174 = tpu.memref_squeeze %dma_start3A_173 : memref<1x128xf32, #tpu.memory_space<vmem>> -> memref<128xf32, #tpu.memory_space<vmem>>
    %dma_start3A_175 = arith.constant 0 : i32
    %dma_start3A_176 = tpu.memref_slice %arg17[%dma_start3A_170, %dma_start3A_175] : memref<16x128xi32, #tpu.memory_space<vmem>> -> memref<1x128xi32, #tpu.memory_space<vmem>>
    %dma_start3A_177 = tpu.memref_squeeze %dma_start3A_176 : memref<1x128xi32, #tpu.memory_space<vmem>> -> memref<128xi32, #tpu.memory_space<vmem>>
    %dma_start3A_178 = arith.constant 0 : i32
    %dma_start3A_179 = tpu.memref_slice %arg8[%dma_start3A_178] : memref<8388608xf32, #tpu.memory_space<hbm>> -> memref<8388608xf32, #tpu.memory_space<hbm>>
    tpu.enqueue_indirect_dma source(%dma_start3A_179 : memref<8388608xf32, #tpu.memory_space<hbm>>) target(%dma_start3A_174 : memref<128xf32, #tpu.memory_space<vmem>>) offsets(%dma_start3A_177 : memref<128xi32, #tpu.memory_space<vmem>>) semaphore(%arg22 : memref<!tpu.dma_semaphore, #tpu.memory_space<semaphore_mem>>)
    %dma_start3A_180 = arith.constant 7 : i32
    %dma_start3A_181 = arith.constant 7 : i32
    %dma_start3A_182 = arith.constant 0 : i32
    %dma_start3A_183 = tpu.memref_slice %arg18[%dma_start3A_181, %dma_start3A_182] : memref<16x128xf32, #tpu.memory_space<vmem>> -> memref<1x128xf32, #tpu.memory_space<vmem>>
    %dma_start3A_184 = tpu.memref_squeeze %dma_start3A_183 : memref<1x128xf32, #tpu.memory_space<vmem>> -> memref<128xf32, #tpu.memory_space<vmem>>
    %dma_start3A_185 = arith.constant 0 : i32
    %dma_start3A_186 = tpu.memref_slice %arg16[%dma_start3A_180, %dma_start3A_185] : memref<16x128xi32, #tpu.memory_space<vmem>> -> memref<1x128xi32, #tpu.memory_space<vmem>>
    %dma_start3A_187 = tpu.memref_squeeze %dma_start3A_186 : memref<1x128xi32, #tpu.memory_space<vmem>> -> memref<128xi32, #tpu.memory_space<vmem>>
    %dma_start3A_188 = arith.constant 0 : i32
    %dma_start3A_189 = tpu.memref_slice %arg8[%dma_start3A_188] : memref<8388608xf32, #tpu.memory_space<hbm>> -> memref<8388608xf32, #tpu.memory_space<hbm>>
    tpu.enqueue_indirect_dma source(%dma_start3A_189 : memref<8388608xf32, #tpu.memory_space<hbm>>) target(%dma_start3A_184 : memref<128xf32, #tpu.memory_space<vmem>>) offsets(%dma_start3A_187 : memref<128xi32, #tpu.memory_space<vmem>>) semaphore(%arg22 : memref<!tpu.dma_semaphore, #tpu.memory_space<semaphore_mem>>)
    %dma_start3A_190 = arith.constant 7 : i32
    %dma_start3A_191 = arith.constant 7 : i32
    %dma_start3A_192 = arith.constant 0 : i32
    %dma_start3A_193 = tpu.memref_slice %arg19[%dma_start3A_191, %dma_start3A_192] : memref<16x128xf32, #tpu.memory_space<vmem>> -> memref<1x128xf32, #tpu.memory_space<vmem>>
    %dma_start3A_194 = tpu.memref_squeeze %dma_start3A_193 : memref<1x128xf32, #tpu.memory_space<vmem>> -> memref<128xf32, #tpu.memory_space<vmem>>
    %dma_start3A_195 = arith.constant 0 : i32
    %dma_start3A_196 = tpu.memref_slice %arg17[%dma_start3A_190, %dma_start3A_195] : memref<16x128xi32, #tpu.memory_space<vmem>> -> memref<1x128xi32, #tpu.memory_space<vmem>>
    %dma_start3A_197 = tpu.memref_squeeze %dma_start3A_196 : memref<1x128xi32, #tpu.memory_space<vmem>> -> memref<128xi32, #tpu.memory_space<vmem>>
    %dma_start3A_198 = arith.constant 0 : i32
    %dma_start3A_199 = tpu.memref_slice %arg8[%dma_start3A_198] : memref<8388608xf32, #tpu.memory_space<hbm>> -> memref<8388608xf32, #tpu.memory_space<hbm>>
    tpu.enqueue_indirect_dma source(%dma_start3A_199 : memref<8388608xf32, #tpu.memory_space<hbm>>) target(%dma_start3A_194 : memref<128xf32, #tpu.memory_space<vmem>>) offsets(%dma_start3A_197 : memref<128xi32, #tpu.memory_space<vmem>>) semaphore(%arg22 : memref<!tpu.dma_semaphore, #tpu.memory_space<semaphore_mem>>)
    %dma_start3A_200 = arith.constant 8 : i32
    %dma_start3A_201 = arith.constant 8 : i32
    %dma_start3A_202 = arith.constant 0 : i32
    %dma_start3A_203 = tpu.memref_slice %arg18[%dma_start3A_201, %dma_start3A_202] : memref<16x128xf32, #tpu.memory_space<vmem>> -> memref<1x128xf32, #tpu.memory_space<vmem>>
    %dma_start3A_204 = tpu.memref_squeeze %dma_start3A_203 : memref<1x128xf32, #tpu.memory_space<vmem>> -> memref<128xf32, #tpu.memory_space<vmem>>
    %dma_start3A_205 = arith.constant 0 : i32
    %dma_start3A_206 = tpu.memref_slice %arg16[%dma_start3A_200, %dma_start3A_205] : memref<16x128xi32, #tpu.memory_space<vmem>> -> memref<1x128xi32, #tpu.memory_space<vmem>>
    %dma_start3A_207 = tpu.memref_squeeze %dma_start3A_206 : memref<1x128xi32, #tpu.memory_space<vmem>> -> memref<128xi32, #tpu.memory_space<vmem>>
    %dma_start3A_208 = arith.constant 0 : i32
    %dma_start3A_209 = tpu.memref_slice %arg8[%dma_start3A_208] : memref<8388608xf32, #tpu.memory_space<hbm>> -> memref<8388608xf32, #tpu.memory_space<hbm>>
    tpu.enqueue_indirect_dma source(%dma_start3A_209 : memref<8388608xf32, #tpu.memory_space<hbm>>) target(%dma_start3A_204 : memref<128xf32, #tpu.memory_space<vmem>>) offsets(%dma_start3A_207 : memref<128xi32, #tpu.memory_space<vmem>>) semaphore(%arg22 : memref<!tpu.dma_semaphore, #tpu.memory_space<semaphore_mem>>)
    %dma_start3A_210 = arith.constant 8 : i32
    %dma_start3A_211 = arith.constant 8 : i32
    %dma_start3A_212 = arith.constant 0 : i32
    %dma_start3A_213 = tpu.memref_slice %arg19[%dma_start3A_211, %dma_start3A_212] : memref<16x128xf32, #tpu.memory_space<vmem>> -> memref<1x128xf32, #tpu.memory_space<vmem>>
    %dma_start3A_214 = tpu.memref_squeeze %dma_start3A_213 : memref<1x128xf32, #tpu.memory_space<vmem>> -> memref<128xf32, #tpu.memory_space<vmem>>
    %dma_start3A_215 = arith.constant 0 : i32
    %dma_start3A_216 = tpu.memref_slice %arg17[%dma_start3A_210, %dma_start3A_215] : memref<16x128xi32, #tpu.memory_space<vmem>> -> memref<1x128xi32, #tpu.memory_space<vmem>>
    %dma_start3A_217 = tpu.memref_squeeze %dma_start3A_216 : memref<1x128xi32, #tpu.memory_space<vmem>> -> memref<128xi32, #tpu.memory_space<vmem>>
    %dma_start3A_218 = arith.constant 0 : i32
    %dma_start3A_219 = tpu.memref_slice %arg8[%dma_start3A_218] : memref<8388608xf32, #tpu.memory_space<hbm>> -> memref<8388608xf32, #tpu.memory_space<hbm>>
    tpu.enqueue_indirect_dma source(%dma_start3A_219 : memref<8388608xf32, #tpu.memory_space<hbm>>) target(%dma_start3A_214 : memref<128xf32, #tpu.memory_space<vmem>>) offsets(%dma_start3A_217 : memref<128xi32, #tpu.memory_space<vmem>>) semaphore(%arg22 : memref<!tpu.dma_semaphore, #tpu.memory_space<semaphore_mem>>)
    %dma_start3A_220 = arith.constant 9 : i32
    %dma_start3A_221 = arith.constant 9 : i32
    %dma_start3A_222 = arith.constant 0 : i32
    %dma_start3A_223 = tpu.memref_slice %arg18[%dma_start3A_221, %dma_start3A_222] : memref<16x128xf32, #tpu.memory_space<vmem>> -> memref<1x128xf32, #tpu.memory_space<vmem>>
    %dma_start3A_224 = tpu.memref_squeeze %dma_start3A_223 : memref<1x128xf32, #tpu.memory_space<vmem>> -> memref<128xf32, #tpu.memory_space<vmem>>
    %dma_start3A_225 = arith.constant 0 : i32
    %dma_start3A_226 = tpu.memref_slice %arg16[%dma_start3A_220, %dma_start3A_225] : memref<16x128xi32, #tpu.memory_space<vmem>> -> memref<1x128xi32, #tpu.memory_space<vmem>>
    %dma_start3A_227 = tpu.memref_squeeze %dma_start3A_226 : memref<1x128xi32, #tpu.memory_space<vmem>> -> memref<128xi32, #tpu.memory_space<vmem>>
    %dma_start3A_228 = arith.constant 0 : i32
    %dma_start3A_229 = tpu.memref_slice %arg8[%dma_start3A_228] : memref<8388608xf32, #tpu.memory_space<hbm>> -> memref<8388608xf32, #tpu.memory_space<hbm>>
    tpu.enqueue_indirect_dma source(%dma_start3A_229 : memref<8388608xf32, #tpu.memory_space<hbm>>) target(%dma_start3A_224 : memref<128xf32, #tpu.memory_space<vmem>>) offsets(%dma_start3A_227 : memref<128xi32, #tpu.memory_space<vmem>>) semaphore(%arg22 : memref<!tpu.dma_semaphore, #tpu.memory_space<semaphore_mem>>)
    %dma_start3A_230 = arith.constant 9 : i32
    %dma_start3A_231 = arith.constant 9 : i32
    %dma_start3A_232 = arith.constant 0 : i32
    %dma_start3A_233 = tpu.memref_slice %arg19[%dma_start3A_231, %dma_start3A_232] : memref<16x128xf32, #tpu.memory_space<vmem>> -> memref<1x128xf32, #tpu.memory_space<vmem>>
    %dma_start3A_234 = tpu.memref_squeeze %dma_start3A_233 : memref<1x128xf32, #tpu.memory_space<vmem>> -> memref<128xf32, #tpu.memory_space<vmem>>
    %dma_start3A_235 = arith.constant 0 : i32
    %dma_start3A_236 = tpu.memref_slice %arg17[%dma_start3A_230, %dma_start3A_235] : memref<16x128xi32, #tpu.memory_space<vmem>> -> memref<1x128xi32, #tpu.memory_space<vmem>>
    %dma_start3A_237 = tpu.memref_squeeze %dma_start3A_236 : memref<1x128xi32, #tpu.memory_space<vmem>> -> memref<128xi32, #tpu.memory_space<vmem>>
    %dma_start3A_238 = arith.constant 0 : i32
    %dma_start3A_239 = tpu.memref_slice %arg8[%dma_start3A_238] : memref<8388608xf32, #tpu.memory_space<hbm>> -> memref<8388608xf32, #tpu.memory_space<hbm>>
    tpu.enqueue_indirect_dma source(%dma_start3A_239 : memref<8388608xf32, #tpu.memory_space<hbm>>) target(%dma_start3A_234 : memref<128xf32, #tpu.memory_space<vmem>>) offsets(%dma_start3A_237 : memref<128xi32, #tpu.memory_space<vmem>>) semaphore(%arg22 : memref<!tpu.dma_semaphore, #tpu.memory_space<semaphore_mem>>)
    %dma_start3A_240 = arith.constant 10 : i32
    %dma_start3A_241 = arith.constant 10 : i32
    %dma_start3A_242 = arith.constant 0 : i32
    %dma_start3A_243 = tpu.memref_slice %arg18[%dma_start3A_241, %dma_start3A_242] : memref<16x128xf32, #tpu.memory_space<vmem>> -> memref<1x128xf32, #tpu.memory_space<vmem>>
    %dma_start3A_244 = tpu.memref_squeeze %dma_start3A_243 : memref<1x128xf32, #tpu.memory_space<vmem>> -> memref<128xf32, #tpu.memory_space<vmem>>
    %dma_start3A_245 = arith.constant 0 : i32
    %dma_start3A_246 = tpu.memref_slice %arg16[%dma_start3A_240, %dma_start3A_245] : memref<16x128xi32, #tpu.memory_space<vmem>> -> memref<1x128xi32, #tpu.memory_space<vmem>>
    %dma_start3A_247 = tpu.memref_squeeze %dma_start3A_246 : memref<1x128xi32, #tpu.memory_space<vmem>> -> memref<128xi32, #tpu.memory_space<vmem>>
    %dma_start3A_248 = arith.constant 0 : i32
    %dma_start3A_249 = tpu.memref_slice %arg8[%dma_start3A_248] : memref<8388608xf32, #tpu.memory_space<hbm>> -> memref<8388608xf32, #tpu.memory_space<hbm>>
    tpu.enqueue_indirect_dma source(%dma_start3A_249 : memref<8388608xf32, #tpu.memory_space<hbm>>) target(%dma_start3A_244 : memref<128xf32, #tpu.memory_space<vmem>>) offsets(%dma_start3A_247 : memref<128xi32, #tpu.memory_space<vmem>>) semaphore(%arg22 : memref<!tpu.dma_semaphore, #tpu.memory_space<semaphore_mem>>)
    %dma_start3A_250 = arith.constant 10 : i32
    %dma_start3A_251 = arith.constant 10 : i32
    %dma_start3A_252 = arith.constant 0 : i32
    %dma_start3A_253 = tpu.memref_slice %arg19[%dma_start3A_251, %dma_start3A_252] : memref<16x128xf32, #tpu.memory_space<vmem>> -> memref<1x128xf32, #tpu.memory_space<vmem>>
    %dma_start3A_254 = tpu.memref_squeeze %dma_start3A_253 : memref<1x128xf32, #tpu.memory_space<vmem>> -> memref<128xf32, #tpu.memory_space<vmem>>
    %dma_start3A_255 = arith.constant 0 : i32
    %dma_start3A_256 = tpu.memref_slice %arg17[%dma_start3A_250, %dma_start3A_255] : memref<16x128xi32, #tpu.memory_space<vmem>> -> memref<1x128xi32, #tpu.memory_space<vmem>>
    %dma_start3A_257 = tpu.memref_squeeze %dma_start3A_256 : memref<1x128xi32, #tpu.memory_space<vmem>> -> memref<128xi32, #tpu.memory_space<vmem>>
    %dma_start3A_258 = arith.constant 0 : i32
    %dma_start3A_259 = tpu.memref_slice %arg8[%dma_start3A_258] : memref<8388608xf32, #tpu.memory_space<hbm>> -> memref<8388608xf32, #tpu.memory_space<hbm>>
    tpu.enqueue_indirect_dma source(%dma_start3A_259 : memref<8388608xf32, #tpu.memory_space<hbm>>) target(%dma_start3A_254 : memref<128xf32, #tpu.memory_space<vmem>>) offsets(%dma_start3A_257 : memref<128xi32, #tpu.memory_space<vmem>>) semaphore(%arg22 : memref<!tpu.dma_semaphore, #tpu.memory_space<semaphore_mem>>)
    %dma_start3A_260 = arith.constant 11 : i32
    %dma_start3A_261 = arith.constant 11 : i32
    %dma_start3A_262 = arith.constant 0 : i32
    %dma_start3A_263 = tpu.memref_slice %arg18[%dma_start3A_261, %dma_start3A_262] : memref<16x128xf32, #tpu.memory_space<vmem>> -> memref<1x128xf32, #tpu.memory_space<vmem>>
    %dma_start3A_264 = tpu.memref_squeeze %dma_start3A_263 : memref<1x128xf32, #tpu.memory_space<vmem>> -> memref<128xf32, #tpu.memory_space<vmem>>
    %dma_start3A_265 = arith.constant 0 : i32
    %dma_start3A_266 = tpu.memref_slice %arg16[%dma_start3A_260, %dma_start3A_265] : memref<16x128xi32, #tpu.memory_space<vmem>> -> memref<1x128xi32, #tpu.memory_space<vmem>>
    %dma_start3A_267 = tpu.memref_squeeze %dma_start3A_266 : memref<1x128xi32, #tpu.memory_space<vmem>> -> memref<128xi32, #tpu.memory_space<vmem>>
    %dma_start3A_268 = arith.constant 0 : i32
    %dma_start3A_269 = tpu.memref_slice %arg8[%dma_start3A_268] : memref<8388608xf32, #tpu.memory_space<hbm>> -> memref<8388608xf32, #tpu.memory_space<hbm>>
    tpu.enqueue_indirect_dma source(%dma_start3A_269 : memref<8388608xf32, #tpu.memory_space<hbm>>) target(%dma_start3A_264 : memref<128xf32, #tpu.memory_space<vmem>>) offsets(%dma_start3A_267 : memref<128xi32, #tpu.memory_space<vmem>>) semaphore(%arg22 : memref<!tpu.dma_semaphore, #tpu.memory_space<semaphore_mem>>)
    %dma_start3A_270 = arith.constant 11 : i32
    %dma_start3A_271 = arith.constant 11 : i32
    %dma_start3A_272 = arith.constant 0 : i32
    %dma_start3A_273 = tpu.memref_slice %arg19[%dma_start3A_271, %dma_start3A_272] : memref<16x128xf32, #tpu.memory_space<vmem>> -> memref<1x128xf32, #tpu.memory_space<vmem>>
    %dma_start3A_274 = tpu.memref_squeeze %dma_start3A_273 : memref<1x128xf32, #tpu.memory_space<vmem>> -> memref<128xf32, #tpu.memory_space<vmem>>
    %dma_start3A_275 = arith.constant 0 : i32
    %dma_start3A_276 = tpu.memref_slice %arg17[%dma_start3A_270, %dma_start3A_275] : memref<16x128xi32, #tpu.memory_space<vmem>> -> memref<1x128xi32, #tpu.memory_space<vmem>>
    %dma_start3A_277 = tpu.memref_squeeze %dma_start3A_276 : memref<1x128xi32, #tpu.memory_space<vmem>> -> memref<128xi32, #tpu.memory_space<vmem>>
    %dma_start3A_278 = arith.constant 0 : i32
    %dma_start3A_279 = tpu.memref_slice %arg8[%dma_start3A_278] : memref<8388608xf32, #tpu.memory_space<hbm>> -> memref<8388608xf32, #tpu.memory_space<hbm>>
    tpu.enqueue_indirect_dma source(%dma_start3A_279 : memref<8388608xf32, #tpu.memory_space<hbm>>) target(%dma_start3A_274 : memref<128xf32, #tpu.memory_space<vmem>>) offsets(%dma_start3A_277 : memref<128xi32, #tpu.memory_space<vmem>>) semaphore(%arg22 : memref<!tpu.dma_semaphore, #tpu.memory_space<semaphore_mem>>)
    %dma_start3A_280 = arith.constant 12 : i32
    %dma_start3A_281 = arith.constant 12 : i32
    %dma_start3A_282 = arith.constant 0 : i32
    %dma_start3A_283 = tpu.memref_slice %arg18[%dma_start3A_281, %dma_start3A_282] : memref<16x128xf32, #tpu.memory_space<vmem>> -> memref<1x128xf32, #tpu.memory_space<vmem>>
    %dma_start3A_284 = tpu.memref_squeeze %dma_start3A_283 : memref<1x128xf32, #tpu.memory_space<vmem>> -> memref<128xf32, #tpu.memory_space<vmem>>
    %dma_start3A_285 = arith.constant 0 : i32
    %dma_start3A_286 = tpu.memref_slice %arg16[%dma_start3A_280, %dma_start3A_285] : memref<16x128xi32, #tpu.memory_space<vmem>> -> memref<1x128xi32, #tpu.memory_space<vmem>>
    %dma_start3A_287 = tpu.memref_squeeze %dma_start3A_286 : memref<1x128xi32, #tpu.memory_space<vmem>> -> memref<128xi32, #tpu.memory_space<vmem>>
    %dma_start3A_288 = arith.constant 0 : i32
    %dma_start3A_289 = tpu.memref_slice %arg8[%dma_start3A_288] : memref<8388608xf32, #tpu.memory_space<hbm>> -> memref<8388608xf32, #tpu.memory_space<hbm>>
    tpu.enqueue_indirect_dma source(%dma_start3A_289 : memref<8388608xf32, #tpu.memory_space<hbm>>) target(%dma_start3A_284 : memref<128xf32, #tpu.memory_space<vmem>>) offsets(%dma_start3A_287 : memref<128xi32, #tpu.memory_space<vmem>>) semaphore(%arg22 : memref<!tpu.dma_semaphore, #tpu.memory_space<semaphore_mem>>)
    %dma_start3A_290 = arith.constant 12 : i32
    %dma_start3A_291 = arith.constant 12 : i32
    %dma_start3A_292 = arith.constant 0 : i32
    %dma_start3A_293 = tpu.memref_slice %arg19[%dma_start3A_291, %dma_start3A_292] : memref<16x128xf32, #tpu.memory_space<vmem>> -> memref<1x128xf32, #tpu.memory_space<vmem>>
    %dma_start3A_294 = tpu.memref_squeeze %dma_start3A_293 : memref<1x128xf32, #tpu.memory_space<vmem>> -> memref<128xf32, #tpu.memory_space<vmem>>
    %dma_start3A_295 = arith.constant 0 : i32
    %dma_start3A_296 = tpu.memref_slice %arg17[%dma_start3A_290, %dma_start3A_295] : memref<16x128xi32, #tpu.memory_space<vmem>> -> memref<1x128xi32, #tpu.memory_space<vmem>>
    %dma_start3A_297 = tpu.memref_squeeze %dma_start3A_296 : memref<1x128xi32, #tpu.memory_space<vmem>> -> memref<128xi32, #tpu.memory_space<vmem>>
    %dma_start3A_298 = arith.constant 0 : i32
    %dma_start3A_299 = tpu.memref_slice %arg8[%dma_start3A_298] : memref<8388608xf32, #tpu.memory_space<hbm>> -> memref<8388608xf32, #tpu.memory_space<hbm>>
    tpu.enqueue_indirect_dma source(%dma_start3A_299 : memref<8388608xf32, #tpu.memory_space<hbm>>) target(%dma_start3A_294 : memref<128xf32, #tpu.memory_space<vmem>>) offsets(%dma_start3A_297 : memref<128xi32, #tpu.memory_space<vmem>>) semaphore(%arg22 : memref<!tpu.dma_semaphore, #tpu.memory_space<semaphore_mem>>)
    %dma_start3A_300 = arith.constant 13 : i32
    %dma_start3A_301 = arith.constant 13 : i32
    %dma_start3A_302 = arith.constant 0 : i32
    %dma_start3A_303 = tpu.memref_slice %arg18[%dma_start3A_301, %dma_start3A_302] : memref<16x128xf32, #tpu.memory_space<vmem>> -> memref<1x128xf32, #tpu.memory_space<vmem>>
    %dma_start3A_304 = tpu.memref_squeeze %dma_start3A_303 : memref<1x128xf32, #tpu.memory_space<vmem>> -> memref<128xf32, #tpu.memory_space<vmem>>
    %dma_start3A_305 = arith.constant 0 : i32
    %dma_start3A_306 = tpu.memref_slice %arg16[%dma_start3A_300, %dma_start3A_305] : memref<16x128xi32, #tpu.memory_space<vmem>> -> memref<1x128xi32, #tpu.memory_space<vmem>>
    %dma_start3A_307 = tpu.memref_squeeze %dma_start3A_306 : memref<1x128xi32, #tpu.memory_space<vmem>> -> memref<128xi32, #tpu.memory_space<vmem>>
    %dma_start3A_308 = arith.constant 0 : i32
    %dma_start3A_309 = tpu.memref_slice %arg8[%dma_start3A_308] : memref<8388608xf32, #tpu.memory_space<hbm>> -> memref<8388608xf32, #tpu.memory_space<hbm>>
    tpu.enqueue_indirect_dma source(%dma_start3A_309 : memref<8388608xf32, #tpu.memory_space<hbm>>) target(%dma_start3A_304 : memref<128xf32, #tpu.memory_space<vmem>>) offsets(%dma_start3A_307 : memref<128xi32, #tpu.memory_space<vmem>>) semaphore(%arg22 : memref<!tpu.dma_semaphore, #tpu.memory_space<semaphore_mem>>)
    %dma_start3A_310 = arith.constant 13 : i32
    %dma_start3A_311 = arith.constant 13 : i32
    %dma_start3A_312 = arith.constant 0 : i32
    %dma_start3A_313 = tpu.memref_slice %arg19[%dma_start3A_311, %dma_start3A_312] : memref<16x128xf32, #tpu.memory_space<vmem>> -> memref<1x128xf32, #tpu.memory_space<vmem>>
    %dma_start3A_314 = tpu.memref_squeeze %dma_start3A_313 : memref<1x128xf32, #tpu.memory_space<vmem>> -> memref<128xf32, #tpu.memory_space<vmem>>
    %dma_start3A_315 = arith.constant 0 : i32
    %dma_start3A_316 = tpu.memref_slice %arg17[%dma_start3A_310, %dma_start3A_315] : memref<16x128xi32, #tpu.memory_space<vmem>> -> memref<1x128xi32, #tpu.memory_space<vmem>>
    %dma_start3A_317 = tpu.memref_squeeze %dma_start3A_316 : memref<1x128xi32, #tpu.memory_space<vmem>> -> memref<128xi32, #tpu.memory_space<vmem>>
    %dma_start3A_318 = arith.constant 0 : i32
    %dma_start3A_319 = tpu.memref_slice %arg8[%dma_start3A_318] : memref<8388608xf32, #tpu.memory_space<hbm>> -> memref<8388608xf32, #tpu.memory_space<hbm>>
    tpu.enqueue_indirect_dma source(%dma_start3A_319 : memref<8388608xf32, #tpu.memory_space<hbm>>) target(%dma_start3A_314 : memref<128xf32, #tpu.memory_space<vmem>>) offsets(%dma_start3A_317 : memref<128xi32, #tpu.memory_space<vmem>>) semaphore(%arg22 : memref<!tpu.dma_semaphore, #tpu.memory_space<semaphore_mem>>)
    %dma_start3A_320 = arith.constant 14 : i32
    %dma_start3A_321 = arith.constant 14 : i32
    %dma_start3A_322 = arith.constant 0 : i32
    %dma_start3A_323 = tpu.memref_slice %arg18[%dma_start3A_321, %dma_start3A_322] : memref<16x128xf32, #tpu.memory_space<vmem>> -> memref<1x128xf32, #tpu.memory_space<vmem>>
    %dma_start3A_324 = tpu.memref_squeeze %dma_start3A_323 : memref<1x128xf32, #tpu.memory_space<vmem>> -> memref<128xf32, #tpu.memory_space<vmem>>
    %dma_start3A_325 = arith.constant 0 : i32
    %dma_start3A_326 = tpu.memref_slice %arg16[%dma_start3A_320, %dma_start3A_325] : memref<16x128xi32, #tpu.memory_space<vmem>> -> memref<1x128xi32, #tpu.memory_space<vmem>>
    %dma_start3A_327 = tpu.memref_squeeze %dma_start3A_326 : memref<1x128xi32, #tpu.memory_space<vmem>> -> memref<128xi32, #tpu.memory_space<vmem>>
    %dma_start3A_328 = arith.constant 0 : i32
    %dma_start3A_329 = tpu.memref_slice %arg8[%dma_start3A_328] : memref<8388608xf32, #tpu.memory_space<hbm>> -> memref<8388608xf32, #tpu.memory_space<hbm>>
    tpu.enqueue_indirect_dma source(%dma_start3A_329 : memref<8388608xf32, #tpu.memory_space<hbm>>) target(%dma_start3A_324 : memref<128xf32, #tpu.memory_space<vmem>>) offsets(%dma_start3A_327 : memref<128xi32, #tpu.memory_space<vmem>>) semaphore(%arg22 : memref<!tpu.dma_semaphore, #tpu.memory_space<semaphore_mem>>)
    %dma_start3A_330 = arith.constant 14 : i32
    %dma_start3A_331 = arith.constant 14 : i32
    %dma_start3A_332 = arith.constant 0 : i32
    %dma_start3A_333 = tpu.memref_slice %arg19[%dma_start3A_331, %dma_start3A_332] : memref<16x128xf32, #tpu.memory_space<vmem>> -> memref<1x128xf32, #tpu.memory_space<vmem>>
    %dma_start3A_334 = tpu.memref_squeeze %dma_start3A_333 : memref<1x128xf32, #tpu.memory_space<vmem>> -> memref<128xf32, #tpu.memory_space<vmem>>
    %dma_start3A_335 = arith.constant 0 : i32
    %dma_start3A_336 = tpu.memref_slice %arg17[%dma_start3A_330, %dma_start3A_335] : memref<16x128xi32, #tpu.memory_space<vmem>> -> memref<1x128xi32, #tpu.memory_space<vmem>>
    %dma_start3A_337 = tpu.memref_squeeze %dma_start3A_336 : memref<1x128xi32, #tpu.memory_space<vmem>> -> memref<128xi32, #tpu.memory_space<vmem>>
    %dma_start3A_338 = arith.constant 0 : i32
    %dma_start3A_339 = tpu.memref_slice %arg8[%dma_start3A_338] : memref<8388608xf32, #tpu.memory_space<hbm>> -> memref<8388608xf32, #tpu.memory_space<hbm>>
    tpu.enqueue_indirect_dma source(%dma_start3A_339 : memref<8388608xf32, #tpu.memory_space<hbm>>) target(%dma_start3A_334 : memref<128xf32, #tpu.memory_space<vmem>>) offsets(%dma_start3A_337 : memref<128xi32, #tpu.memory_space<vmem>>) semaphore(%arg22 : memref<!tpu.dma_semaphore, #tpu.memory_space<semaphore_mem>>)
    %dma_start3A_340 = arith.constant 15 : i32
    %dma_start3A_341 = arith.constant 15 : i32
    %dma_start3A_342 = arith.constant 0 : i32
    %dma_start3A_343 = tpu.memref_slice %arg18[%dma_start3A_341, %dma_start3A_342] : memref<16x128xf32, #tpu.memory_space<vmem>> -> memref<1x128xf32, #tpu.memory_space<vmem>>
    %dma_start3A_344 = tpu.memref_squeeze %dma_start3A_343 : memref<1x128xf32, #tpu.memory_space<vmem>> -> memref<128xf32, #tpu.memory_space<vmem>>
    %dma_start3A_345 = arith.constant 0 : i32
    %dma_start3A_346 = tpu.memref_slice %arg16[%dma_start3A_340, %dma_start3A_345] : memref<16x128xi32, #tpu.memory_space<vmem>> -> memref<1x128xi32, #tpu.memory_space<vmem>>
    %dma_start3A_347 = tpu.memref_squeeze %dma_start3A_346 : memref<1x128xi32, #tpu.memory_space<vmem>> -> memref<128xi32, #tpu.memory_space<vmem>>
    %dma_start3A_348 = arith.constant 0 : i32
    %dma_start3A_349 = tpu.memref_slice %arg8[%dma_start3A_348] : memref<8388608xf32, #tpu.memory_space<hbm>> -> memref<8388608xf32, #tpu.memory_space<hbm>>
    tpu.enqueue_indirect_dma source(%dma_start3A_349 : memref<8388608xf32, #tpu.memory_space<hbm>>) target(%dma_start3A_344 : memref<128xf32, #tpu.memory_space<vmem>>) offsets(%dma_start3A_347 : memref<128xi32, #tpu.memory_space<vmem>>) semaphore(%arg22 : memref<!tpu.dma_semaphore, #tpu.memory_space<semaphore_mem>>)
    %dma_start3A_350 = arith.constant 15 : i32
    %dma_start3A_351 = arith.constant 15 : i32
    %dma_start3A_352 = arith.constant 0 : i32
    %dma_start3A_353 = tpu.memref_slice %arg19[%dma_start3A_351, %dma_start3A_352] : memref<16x128xf32, #tpu.memory_space<vmem>> -> memref<1x128xf32, #tpu.memory_space<vmem>>
    %dma_start3A_354 = tpu.memref_squeeze %dma_start3A_353 : memref<1x128xf32, #tpu.memory_space<vmem>> -> memref<128xf32, #tpu.memory_space<vmem>>
    %dma_start3A_355 = arith.constant 0 : i32
    %dma_start3A_356 = tpu.memref_slice %arg17[%dma_start3A_350, %dma_start3A_355] : memref<16x128xi32, #tpu.memory_space<vmem>> -> memref<1x128xi32, #tpu.memory_space<vmem>>
    %dma_start3A_357 = tpu.memref_squeeze %dma_start3A_356 : memref<1x128xi32, #tpu.memory_space<vmem>> -> memref<128xi32, #tpu.memory_space<vmem>>
    %dma_start3A_358 = arith.constant 0 : i32
    %dma_start3A_359 = tpu.memref_slice %arg8[%dma_start3A_358] : memref<8388608xf32, #tpu.memory_space<hbm>> -> memref<8388608xf32, #tpu.memory_space<hbm>>
    tpu.enqueue_indirect_dma source(%dma_start3A_359 : memref<8388608xf32, #tpu.memory_space<hbm>>) target(%dma_start3A_354 : memref<128xf32, #tpu.memory_space<vmem>>) offsets(%dma_start3A_357 : memref<128xi32, #tpu.memory_space<vmem>>) semaphore(%arg22 : memref<!tpu.dma_semaphore, #tpu.memory_space<semaphore_mem>>)
    %dma_wait3A_360 = tpu.memref_slice %arg4[%mul3A_2] : memref<65536xf32, #tpu.memory_space<hbm>> -> memref<2048xf32, #tpu.memory_space<hbm>>
    %dma_wait3A_361 = tpu.memref_slice %arg4[%mul3A_2] : memref<65536xf32, #tpu.memory_space<hbm>> -> memref<2048xf32, #tpu.memory_space<hbm>>
    tpu.wait_dma2 semaphore(%arg21 : memref<!tpu.dma_semaphore, #tpu.memory_space<semaphore_mem>>) src(%dma_wait3A_361 : memref<2048xf32, #tpu.memory_space<hbm>>) dst(%arg12 : memref<2048xf32, #tpu.memory_space<vmem>>)
    %dma_wait3A_362 = tpu.memref_slice %arg5[%mul3A_2] : memref<65536xf32, #tpu.memory_space<hbm>> -> memref<2048xf32, #tpu.memory_space<hbm>>
    %dma_wait3A_363 = tpu.memref_slice %arg5[%mul3A_2] : memref<65536xf32, #tpu.memory_space<hbm>> -> memref<2048xf32, #tpu.memory_space<hbm>>
    tpu.wait_dma2 semaphore(%arg21 : memref<!tpu.dma_semaphore, #tpu.memory_space<semaphore_mem>>) src(%dma_wait3A_363 : memref<2048xf32, #tpu.memory_space<hbm>>) dst(%arg13 : memref<2048xf32, #tpu.memory_space<vmem>>)
    %dma_wait3A_364 = tpu.memref_slice %arg6[%mul3A_2] : memref<65536xi32, #tpu.memory_space<hbm>> -> memref<2048xi32, #tpu.memory_space<hbm>>
    %dma_wait3A_365 = tpu.memref_slice %arg6[%mul3A_2] : memref<65536xi32, #tpu.memory_space<hbm>> -> memref<2048xi32, #tpu.memory_space<hbm>>
    tpu.wait_dma2 semaphore(%arg21 : memref<!tpu.dma_semaphore, #tpu.memory_space<semaphore_mem>>) src(%dma_wait3A_365 : memref<2048xi32, #tpu.memory_space<hbm>>) dst(%arg14 : memref<2048xi32, #tpu.memory_space<vmem>>)
    %dma_wait3A_366 = tpu.memref_slice %arg7[%mul3A_2] : memref<65536xi32, #tpu.memory_space<hbm>> -> memref<2048xi32, #tpu.memory_space<hbm>>
    %dma_wait3A_367 = tpu.memref_slice %arg7[%mul3A_2] : memref<65536xi32, #tpu.memory_space<hbm>> -> memref<2048xi32, #tpu.memory_space<hbm>>
    tpu.wait_dma2 semaphore(%arg21 : memref<!tpu.dma_semaphore, #tpu.memory_space<semaphore_mem>>) src(%dma_wait3A_367 : memref<2048xi32, #tpu.memory_space<hbm>>) dst(%arg15 : memref<2048xi32, #tpu.memory_space<vmem>>)
    %dma_wait3A_368 = arith.constant 0 : i32
    %dma_wait3A_369 = arith.constant 0 : i32
    %dma_wait3A_370 = arith.constant 0 : i32
    %dma_wait3A_371 = tpu.memref_slice %arg18[%dma_wait3A_369, %dma_wait3A_370] : memref<16x128xf32, #tpu.memory_space<vmem>> -> memref<1x128xf32, #tpu.memory_space<vmem>>
    %dma_wait3A_372 = tpu.memref_squeeze %dma_wait3A_371 : memref<1x128xf32, #tpu.memory_space<vmem>> -> memref<128xf32, #tpu.memory_space<vmem>>
    %dma_wait3A_373 = arith.constant 0 : i32
    %dma_wait3A_374 = tpu.memref_slice %arg16[%dma_wait3A_368, %dma_wait3A_373] : memref<16x128xi32, #tpu.memory_space<vmem>> -> memref<1x128xi32, #tpu.memory_space<vmem>>
    %dma_wait3A_375 = tpu.memref_squeeze %dma_wait3A_374 : memref<1x128xi32, #tpu.memory_space<vmem>> -> memref<128xi32, #tpu.memory_space<vmem>>
    %dma_wait3A_376 = arith.constant 0 : i32
    %dma_wait3A_377 = tpu.memref_slice %arg8[%dma_wait3A_376] : memref<8388608xf32, #tpu.memory_space<hbm>> -> memref<8388608xf32, #tpu.memory_space<hbm>>
    tpu.wait_indirect_dma semaphore(%arg22 : memref<!tpu.dma_semaphore, #tpu.memory_space<semaphore_mem>>) src(%dma_wait3A_377 : memref<8388608xf32, #tpu.memory_space<hbm>>) dst(%dma_wait3A_372 : memref<128xf32, #tpu.memory_space<vmem>>)
    %dma_wait3A_378 = arith.constant 0 : i32
    %dma_wait3A_379 = arith.constant 0 : i32
    %dma_wait3A_380 = arith.constant 0 : i32
    %dma_wait3A_381 = tpu.memref_slice %arg19[%dma_wait3A_379, %dma_wait3A_380] : memref<16x128xf32, #tpu.memory_space<vmem>> -> memref<1x128xf32, #tpu.memory_space<vmem>>
    %dma_wait3A_382 = tpu.memref_squeeze %dma_wait3A_381 : memref<1x128xf32, #tpu.memory_space<vmem>> -> memref<128xf32, #tpu.memory_space<vmem>>
    %dma_wait3A_383 = arith.constant 0 : i32
    %dma_wait3A_384 = tpu.memref_slice %arg17[%dma_wait3A_378, %dma_wait3A_383] : memref<16x128xi32, #tpu.memory_space<vmem>> -> memref<1x128xi32, #tpu.memory_space<vmem>>
    %dma_wait3A_385 = tpu.memref_squeeze %dma_wait3A_384 : memref<1x128xi32, #tpu.memory_space<vmem>> -> memref<128xi32, #tpu.memory_space<vmem>>
    %dma_wait3A_386 = arith.constant 0 : i32
    %dma_wait3A_387 = tpu.memref_slice %arg8[%dma_wait3A_386] : memref<8388608xf32, #tpu.memory_space<hbm>> -> memref<8388608xf32, #tpu.memory_space<hbm>>
    tpu.wait_indirect_dma semaphore(%arg22 : memref<!tpu.dma_semaphore, #tpu.memory_space<semaphore_mem>>) src(%dma_wait3A_387 : memref<8388608xf32, #tpu.memory_space<hbm>>) dst(%dma_wait3A_382 : memref<128xf32, #tpu.memory_space<vmem>>)
    %dma_wait3A_388 = arith.constant 1 : i32
    %dma_wait3A_389 = arith.constant 1 : i32
    %dma_wait3A_390 = arith.constant 0 : i32
    %dma_wait3A_391 = tpu.memref_slice %arg18[%dma_wait3A_389, %dma_wait3A_390] : memref<16x128xf32, #tpu.memory_space<vmem>> -> memref<1x128xf32, #tpu.memory_space<vmem>>
    %dma_wait3A_392 = tpu.memref_squeeze %dma_wait3A_391 : memref<1x128xf32, #tpu.memory_space<vmem>> -> memref<128xf32, #tpu.memory_space<vmem>>
    %dma_wait3A_393 = arith.constant 0 : i32
    %dma_wait3A_394 = tpu.memref_slice %arg16[%dma_wait3A_388, %dma_wait3A_393] : memref<16x128xi32, #tpu.memory_space<vmem>> -> memref<1x128xi32, #tpu.memory_space<vmem>>
    %dma_wait3A_395 = tpu.memref_squeeze %dma_wait3A_394 : memref<1x128xi32, #tpu.memory_space<vmem>> -> memref<128xi32, #tpu.memory_space<vmem>>
    %dma_wait3A_396 = arith.constant 0 : i32
    %dma_wait3A_397 = tpu.memref_slice %arg8[%dma_wait3A_396] : memref<8388608xf32, #tpu.memory_space<hbm>> -> memref<8388608xf32, #tpu.memory_space<hbm>>
    tpu.wait_indirect_dma semaphore(%arg22 : memref<!tpu.dma_semaphore, #tpu.memory_space<semaphore_mem>>) src(%dma_wait3A_397 : memref<8388608xf32, #tpu.memory_space<hbm>>) dst(%dma_wait3A_392 : memref<128xf32, #tpu.memory_space<vmem>>)
    %dma_wait3A_398 = arith.constant 1 : i32
    %dma_wait3A_399 = arith.constant 1 : i32
    %dma_wait3A_400 = arith.constant 0 : i32
    %dma_wait3A_401 = tpu.memref_slice %arg19[%dma_wait3A_399, %dma_wait3A_400] : memref<16x128xf32, #tpu.memory_space<vmem>> -> memref<1x128xf32, #tpu.memory_space<vmem>>
    %dma_wait3A_402 = tpu.memref_squeeze %dma_wait3A_401 : memref<1x128xf32, #tpu.memory_space<vmem>> -> memref<128xf32, #tpu.memory_space<vmem>>
    %dma_wait3A_403 = arith.constant 0 : i32
    %dma_wait3A_404 = tpu.memref_slice %arg17[%dma_wait3A_398, %dma_wait3A_403] : memref<16x128xi32, #tpu.memory_space<vmem>> -> memref<1x128xi32, #tpu.memory_space<vmem>>
    %dma_wait3A_405 = tpu.memref_squeeze %dma_wait3A_404 : memref<1x128xi32, #tpu.memory_space<vmem>> -> memref<128xi32, #tpu.memory_space<vmem>>
    %dma_wait3A_406 = arith.constant 0 : i32
    %dma_wait3A_407 = tpu.memref_slice %arg8[%dma_wait3A_406] : memref<8388608xf32, #tpu.memory_space<hbm>> -> memref<8388608xf32, #tpu.memory_space<hbm>>
    tpu.wait_indirect_dma semaphore(%arg22 : memref<!tpu.dma_semaphore, #tpu.memory_space<semaphore_mem>>) src(%dma_wait3A_407 : memref<8388608xf32, #tpu.memory_space<hbm>>) dst(%dma_wait3A_402 : memref<128xf32, #tpu.memory_space<vmem>>)
    %dma_wait3A_408 = arith.constant 2 : i32
    %dma_wait3A_409 = arith.constant 2 : i32
    %dma_wait3A_410 = arith.constant 0 : i32
    %dma_wait3A_411 = tpu.memref_slice %arg18[%dma_wait3A_409, %dma_wait3A_410] : memref<16x128xf32, #tpu.memory_space<vmem>> -> memref<1x128xf32, #tpu.memory_space<vmem>>
    %dma_wait3A_412 = tpu.memref_squeeze %dma_wait3A_411 : memref<1x128xf32, #tpu.memory_space<vmem>> -> memref<128xf32, #tpu.memory_space<vmem>>
    %dma_wait3A_413 = arith.constant 0 : i32
    %dma_wait3A_414 = tpu.memref_slice %arg16[%dma_wait3A_408, %dma_wait3A_413] : memref<16x128xi32, #tpu.memory_space<vmem>> -> memref<1x128xi32, #tpu.memory_space<vmem>>
    %dma_wait3A_415 = tpu.memref_squeeze %dma_wait3A_414 : memref<1x128xi32, #tpu.memory_space<vmem>> -> memref<128xi32, #tpu.memory_space<vmem>>
    %dma_wait3A_416 = arith.constant 0 : i32
    %dma_wait3A_417 = tpu.memref_slice %arg8[%dma_wait3A_416] : memref<8388608xf32, #tpu.memory_space<hbm>> -> memref<8388608xf32, #tpu.memory_space<hbm>>
    tpu.wait_indirect_dma semaphore(%arg22 : memref<!tpu.dma_semaphore, #tpu.memory_space<semaphore_mem>>) src(%dma_wait3A_417 : memref<8388608xf32, #tpu.memory_space<hbm>>) dst(%dma_wait3A_412 : memref<128xf32, #tpu.memory_space<vmem>>)
    %dma_wait3A_418 = arith.constant 2 : i32
    %dma_wait3A_419 = arith.constant 2 : i32
    %dma_wait3A_420 = arith.constant 0 : i32
    %dma_wait3A_421 = tpu.memref_slice %arg19[%dma_wait3A_419, %dma_wait3A_420] : memref<16x128xf32, #tpu.memory_space<vmem>> -> memref<1x128xf32, #tpu.memory_space<vmem>>
    %dma_wait3A_422 = tpu.memref_squeeze %dma_wait3A_421 : memref<1x128xf32, #tpu.memory_space<vmem>> -> memref<128xf32, #tpu.memory_space<vmem>>
    %dma_wait3A_423 = arith.constant 0 : i32
    %dma_wait3A_424 = tpu.memref_slice %arg17[%dma_wait3A_418, %dma_wait3A_423] : memref<16x128xi32, #tpu.memory_space<vmem>> -> memref<1x128xi32, #tpu.memory_space<vmem>>
    %dma_wait3A_425 = tpu.memref_squeeze %dma_wait3A_424 : memref<1x128xi32, #tpu.memory_space<vmem>> -> memref<128xi32, #tpu.memory_space<vmem>>
    %dma_wait3A_426 = arith.constant 0 : i32
    %dma_wait3A_427 = tpu.memref_slice %arg8[%dma_wait3A_426] : memref<8388608xf32, #tpu.memory_space<hbm>> -> memref<8388608xf32, #tpu.memory_space<hbm>>
    tpu.wait_indirect_dma semaphore(%arg22 : memref<!tpu.dma_semaphore, #tpu.memory_space<semaphore_mem>>) src(%dma_wait3A_427 : memref<8388608xf32, #tpu.memory_space<hbm>>) dst(%dma_wait3A_422 : memref<128xf32, #tpu.memory_space<vmem>>)
    %dma_wait3A_428 = arith.constant 3 : i32
    %dma_wait3A_429 = arith.constant 3 : i32
    %dma_wait3A_430 = arith.constant 0 : i32
    %dma_wait3A_431 = tpu.memref_slice %arg18[%dma_wait3A_429, %dma_wait3A_430] : memref<16x128xf32, #tpu.memory_space<vmem>> -> memref<1x128xf32, #tpu.memory_space<vmem>>
    %dma_wait3A_432 = tpu.memref_squeeze %dma_wait3A_431 : memref<1x128xf32, #tpu.memory_space<vmem>> -> memref<128xf32, #tpu.memory_space<vmem>>
    %dma_wait3A_433 = arith.constant 0 : i32
    %dma_wait3A_434 = tpu.memref_slice %arg16[%dma_wait3A_428, %dma_wait3A_433] : memref<16x128xi32, #tpu.memory_space<vmem>> -> memref<1x128xi32, #tpu.memory_space<vmem>>
    %dma_wait3A_435 = tpu.memref_squeeze %dma_wait3A_434 : memref<1x128xi32, #tpu.memory_space<vmem>> -> memref<128xi32, #tpu.memory_space<vmem>>
    %dma_wait3A_436 = arith.constant 0 : i32
    %dma_wait3A_437 = tpu.memref_slice %arg8[%dma_wait3A_436] : memref<8388608xf32, #tpu.memory_space<hbm>> -> memref<8388608xf32, #tpu.memory_space<hbm>>
    tpu.wait_indirect_dma semaphore(%arg22 : memref<!tpu.dma_semaphore, #tpu.memory_space<semaphore_mem>>) src(%dma_wait3A_437 : memref<8388608xf32, #tpu.memory_space<hbm>>) dst(%dma_wait3A_432 : memref<128xf32, #tpu.memory_space<vmem>>)
    %dma_wait3A_438 = arith.constant 3 : i32
    %dma_wait3A_439 = arith.constant 3 : i32
    %dma_wait3A_440 = arith.constant 0 : i32
    %dma_wait3A_441 = tpu.memref_slice %arg19[%dma_wait3A_439, %dma_wait3A_440] : memref<16x128xf32, #tpu.memory_space<vmem>> -> memref<1x128xf32, #tpu.memory_space<vmem>>
    %dma_wait3A_442 = tpu.memref_squeeze %dma_wait3A_441 : memref<1x128xf32, #tpu.memory_space<vmem>> -> memref<128xf32, #tpu.memory_space<vmem>>
    %dma_wait3A_443 = arith.constant 0 : i32
    %dma_wait3A_444 = tpu.memref_slice %arg17[%dma_wait3A_438, %dma_wait3A_443] : memref<16x128xi32, #tpu.memory_space<vmem>> -> memref<1x128xi32, #tpu.memory_space<vmem>>
    %dma_wait3A_445 = tpu.memref_squeeze %dma_wait3A_444 : memref<1x128xi32, #tpu.memory_space<vmem>> -> memref<128xi32, #tpu.memory_space<vmem>>
    %dma_wait3A_446 = arith.constant 0 : i32
    %dma_wait3A_447 = tpu.memref_slice %arg8[%dma_wait3A_446] : memref<8388608xf32, #tpu.memory_space<hbm>> -> memref<8388608xf32, #tpu.memory_space<hbm>>
    tpu.wait_indirect_dma semaphore(%arg22 : memref<!tpu.dma_semaphore, #tpu.memory_space<semaphore_mem>>) src(%dma_wait3A_447 : memref<8388608xf32, #tpu.memory_space<hbm>>) dst(%dma_wait3A_442 : memref<128xf32, #tpu.memory_space<vmem>>)
    %dma_wait3A_448 = arith.constant 4 : i32
    %dma_wait3A_449 = arith.constant 4 : i32
    %dma_wait3A_450 = arith.constant 0 : i32
    %dma_wait3A_451 = tpu.memref_slice %arg18[%dma_wait3A_449, %dma_wait3A_450] : memref<16x128xf32, #tpu.memory_space<vmem>> -> memref<1x128xf32, #tpu.memory_space<vmem>>
    %dma_wait3A_452 = tpu.memref_squeeze %dma_wait3A_451 : memref<1x128xf32, #tpu.memory_space<vmem>> -> memref<128xf32, #tpu.memory_space<vmem>>
    %dma_wait3A_453 = arith.constant 0 : i32
    %dma_wait3A_454 = tpu.memref_slice %arg16[%dma_wait3A_448, %dma_wait3A_453] : memref<16x128xi32, #tpu.memory_space<vmem>> -> memref<1x128xi32, #tpu.memory_space<vmem>>
    %dma_wait3A_455 = tpu.memref_squeeze %dma_wait3A_454 : memref<1x128xi32, #tpu.memory_space<vmem>> -> memref<128xi32, #tpu.memory_space<vmem>>
    %dma_wait3A_456 = arith.constant 0 : i32
    %dma_wait3A_457 = tpu.memref_slice %arg8[%dma_wait3A_456] : memref<8388608xf32, #tpu.memory_space<hbm>> -> memref<8388608xf32, #tpu.memory_space<hbm>>
    tpu.wait_indirect_dma semaphore(%arg22 : memref<!tpu.dma_semaphore, #tpu.memory_space<semaphore_mem>>) src(%dma_wait3A_457 : memref<8388608xf32, #tpu.memory_space<hbm>>) dst(%dma_wait3A_452 : memref<128xf32, #tpu.memory_space<vmem>>)
    %dma_wait3A_458 = arith.constant 4 : i32
    %dma_wait3A_459 = arith.constant 4 : i32
    %dma_wait3A_460 = arith.constant 0 : i32
    %dma_wait3A_461 = tpu.memref_slice %arg19[%dma_wait3A_459, %dma_wait3A_460] : memref<16x128xf32, #tpu.memory_space<vmem>> -> memref<1x128xf32, #tpu.memory_space<vmem>>
    %dma_wait3A_462 = tpu.memref_squeeze %dma_wait3A_461 : memref<1x128xf32, #tpu.memory_space<vmem>> -> memref<128xf32, #tpu.memory_space<vmem>>
    %dma_wait3A_463 = arith.constant 0 : i32
    %dma_wait3A_464 = tpu.memref_slice %arg17[%dma_wait3A_458, %dma_wait3A_463] : memref<16x128xi32, #tpu.memory_space<vmem>> -> memref<1x128xi32, #tpu.memory_space<vmem>>
    %dma_wait3A_465 = tpu.memref_squeeze %dma_wait3A_464 : memref<1x128xi32, #tpu.memory_space<vmem>> -> memref<128xi32, #tpu.memory_space<vmem>>
    %dma_wait3A_466 = arith.constant 0 : i32
    %dma_wait3A_467 = tpu.memref_slice %arg8[%dma_wait3A_466] : memref<8388608xf32, #tpu.memory_space<hbm>> -> memref<8388608xf32, #tpu.memory_space<hbm>>
    tpu.wait_indirect_dma semaphore(%arg22 : memref<!tpu.dma_semaphore, #tpu.memory_space<semaphore_mem>>) src(%dma_wait3A_467 : memref<8388608xf32, #tpu.memory_space<hbm>>) dst(%dma_wait3A_462 : memref<128xf32, #tpu.memory_space<vmem>>)
    %dma_wait3A_468 = arith.constant 5 : i32
    %dma_wait3A_469 = arith.constant 5 : i32
    %dma_wait3A_470 = arith.constant 0 : i32
    %dma_wait3A_471 = tpu.memref_slice %arg18[%dma_wait3A_469, %dma_wait3A_470] : memref<16x128xf32, #tpu.memory_space<vmem>> -> memref<1x128xf32, #tpu.memory_space<vmem>>
    %dma_wait3A_472 = tpu.memref_squeeze %dma_wait3A_471 : memref<1x128xf32, #tpu.memory_space<vmem>> -> memref<128xf32, #tpu.memory_space<vmem>>
    %dma_wait3A_473 = arith.constant 0 : i32
    %dma_wait3A_474 = tpu.memref_slice %arg16[%dma_wait3A_468, %dma_wait3A_473] : memref<16x128xi32, #tpu.memory_space<vmem>> -> memref<1x128xi32, #tpu.memory_space<vmem>>
    %dma_wait3A_475 = tpu.memref_squeeze %dma_wait3A_474 : memref<1x128xi32, #tpu.memory_space<vmem>> -> memref<128xi32, #tpu.memory_space<vmem>>
    %dma_wait3A_476 = arith.constant 0 : i32
    %dma_wait3A_477 = tpu.memref_slice %arg8[%dma_wait3A_476] : memref<8388608xf32, #tpu.memory_space<hbm>> -> memref<8388608xf32, #tpu.memory_space<hbm>>
    tpu.wait_indirect_dma semaphore(%arg22 : memref<!tpu.dma_semaphore, #tpu.memory_space<semaphore_mem>>) src(%dma_wait3A_477 : memref<8388608xf32, #tpu.memory_space<hbm>>) dst(%dma_wait3A_472 : memref<128xf32, #tpu.memory_space<vmem>>)
    %dma_wait3A_478 = arith.constant 5 : i32
    %dma_wait3A_479 = arith.constant 5 : i32
    %dma_wait3A_480 = arith.constant 0 : i32
    %dma_wait3A_481 = tpu.memref_slice %arg19[%dma_wait3A_479, %dma_wait3A_480] : memref<16x128xf32, #tpu.memory_space<vmem>> -> memref<1x128xf32, #tpu.memory_space<vmem>>
    %dma_wait3A_482 = tpu.memref_squeeze %dma_wait3A_481 : memref<1x128xf32, #tpu.memory_space<vmem>> -> memref<128xf32, #tpu.memory_space<vmem>>
    %dma_wait3A_483 = arith.constant 0 : i32
    %dma_wait3A_484 = tpu.memref_slice %arg17[%dma_wait3A_478, %dma_wait3A_483] : memref<16x128xi32, #tpu.memory_space<vmem>> -> memref<1x128xi32, #tpu.memory_space<vmem>>
    %dma_wait3A_485 = tpu.memref_squeeze %dma_wait3A_484 : memref<1x128xi32, #tpu.memory_space<vmem>> -> memref<128xi32, #tpu.memory_space<vmem>>
    %dma_wait3A_486 = arith.constant 0 : i32
    %dma_wait3A_487 = tpu.memref_slice %arg8[%dma_wait3A_486] : memref<8388608xf32, #tpu.memory_space<hbm>> -> memref<8388608xf32, #tpu.memory_space<hbm>>
    tpu.wait_indirect_dma semaphore(%arg22 : memref<!tpu.dma_semaphore, #tpu.memory_space<semaphore_mem>>) src(%dma_wait3A_487 : memref<8388608xf32, #tpu.memory_space<hbm>>) dst(%dma_wait3A_482 : memref<128xf32, #tpu.memory_space<vmem>>)
    %dma_wait3A_488 = arith.constant 6 : i32
    %dma_wait3A_489 = arith.constant 6 : i32
    %dma_wait3A_490 = arith.constant 0 : i32
    %dma_wait3A_491 = tpu.memref_slice %arg18[%dma_wait3A_489, %dma_wait3A_490] : memref<16x128xf32, #tpu.memory_space<vmem>> -> memref<1x128xf32, #tpu.memory_space<vmem>>
    %dma_wait3A_492 = tpu.memref_squeeze %dma_wait3A_491 : memref<1x128xf32, #tpu.memory_space<vmem>> -> memref<128xf32, #tpu.memory_space<vmem>>
    %dma_wait3A_493 = arith.constant 0 : i32
    %dma_wait3A_494 = tpu.memref_slice %arg16[%dma_wait3A_488, %dma_wait3A_493] : memref<16x128xi32, #tpu.memory_space<vmem>> -> memref<1x128xi32, #tpu.memory_space<vmem>>
    %dma_wait3A_495 = tpu.memref_squeeze %dma_wait3A_494 : memref<1x128xi32, #tpu.memory_space<vmem>> -> memref<128xi32, #tpu.memory_space<vmem>>
    %dma_wait3A_496 = arith.constant 0 : i32
    %dma_wait3A_497 = tpu.memref_slice %arg8[%dma_wait3A_496] : memref<8388608xf32, #tpu.memory_space<hbm>> -> memref<8388608xf32, #tpu.memory_space<hbm>>
    tpu.wait_indirect_dma semaphore(%arg22 : memref<!tpu.dma_semaphore, #tpu.memory_space<semaphore_mem>>) src(%dma_wait3A_497 : memref<8388608xf32, #tpu.memory_space<hbm>>) dst(%dma_wait3A_492 : memref<128xf32, #tpu.memory_space<vmem>>)
    %dma_wait3A_498 = arith.constant 6 : i32
    %dma_wait3A_499 = arith.constant 6 : i32
    %dma_wait3A_500 = arith.constant 0 : i32
    %dma_wait3A_501 = tpu.memref_slice %arg19[%dma_wait3A_499, %dma_wait3A_500] : memref<16x128xf32, #tpu.memory_space<vmem>> -> memref<1x128xf32, #tpu.memory_space<vmem>>
    %dma_wait3A_502 = tpu.memref_squeeze %dma_wait3A_501 : memref<1x128xf32, #tpu.memory_space<vmem>> -> memref<128xf32, #tpu.memory_space<vmem>>
    %dma_wait3A_503 = arith.constant 0 : i32
    %dma_wait3A_504 = tpu.memref_slice %arg17[%dma_wait3A_498, %dma_wait3A_503] : memref<16x128xi32, #tpu.memory_space<vmem>> -> memref<1x128xi32, #tpu.memory_space<vmem>>
    %dma_wait3A_505 = tpu.memref_squeeze %dma_wait3A_504 : memref<1x128xi32, #tpu.memory_space<vmem>> -> memref<128xi32, #tpu.memory_space<vmem>>
    %dma_wait3A_506 = arith.constant 0 : i32
    %dma_wait3A_507 = tpu.memref_slice %arg8[%dma_wait3A_506] : memref<8388608xf32, #tpu.memory_space<hbm>> -> memref<8388608xf32, #tpu.memory_space<hbm>>
    tpu.wait_indirect_dma semaphore(%arg22 : memref<!tpu.dma_semaphore, #tpu.memory_space<semaphore_mem>>) src(%dma_wait3A_507 : memref<8388608xf32, #tpu.memory_space<hbm>>) dst(%dma_wait3A_502 : memref<128xf32, #tpu.memory_space<vmem>>)
    %dma_wait3A_508 = arith.constant 7 : i32
    %dma_wait3A_509 = arith.constant 7 : i32
    %dma_wait3A_510 = arith.constant 0 : i32
    %dma_wait3A_511 = tpu.memref_slice %arg18[%dma_wait3A_509, %dma_wait3A_510] : memref<16x128xf32, #tpu.memory_space<vmem>> -> memref<1x128xf32, #tpu.memory_space<vmem>>
    %dma_wait3A_512 = tpu.memref_squeeze %dma_wait3A_511 : memref<1x128xf32, #tpu.memory_space<vmem>> -> memref<128xf32, #tpu.memory_space<vmem>>
    %dma_wait3A_513 = arith.constant 0 : i32
    %dma_wait3A_514 = tpu.memref_slice %arg16[%dma_wait3A_508, %dma_wait3A_513] : memref<16x128xi32, #tpu.memory_space<vmem>> -> memref<1x128xi32, #tpu.memory_space<vmem>>
    %dma_wait3A_515 = tpu.memref_squeeze %dma_wait3A_514 : memref<1x128xi32, #tpu.memory_space<vmem>> -> memref<128xi32, #tpu.memory_space<vmem>>
    %dma_wait3A_516 = arith.constant 0 : i32
    %dma_wait3A_517 = tpu.memref_slice %arg8[%dma_wait3A_516] : memref<8388608xf32, #tpu.memory_space<hbm>> -> memref<8388608xf32, #tpu.memory_space<hbm>>
    tpu.wait_indirect_dma semaphore(%arg22 : memref<!tpu.dma_semaphore, #tpu.memory_space<semaphore_mem>>) src(%dma_wait3A_517 : memref<8388608xf32, #tpu.memory_space<hbm>>) dst(%dma_wait3A_512 : memref<128xf32, #tpu.memory_space<vmem>>)
    %dma_wait3A_518 = arith.constant 7 : i32
    %dma_wait3A_519 = arith.constant 7 : i32
    %dma_wait3A_520 = arith.constant 0 : i32
    %dma_wait3A_521 = tpu.memref_slice %arg19[%dma_wait3A_519, %dma_wait3A_520] : memref<16x128xf32, #tpu.memory_space<vmem>> -> memref<1x128xf32, #tpu.memory_space<vmem>>
    %dma_wait3A_522 = tpu.memref_squeeze %dma_wait3A_521 : memref<1x128xf32, #tpu.memory_space<vmem>> -> memref<128xf32, #tpu.memory_space<vmem>>
    %dma_wait3A_523 = arith.constant 0 : i32
    %dma_wait3A_524 = tpu.memref_slice %arg17[%dma_wait3A_518, %dma_wait3A_523] : memref<16x128xi32, #tpu.memory_space<vmem>> -> memref<1x128xi32, #tpu.memory_space<vmem>>
    %dma_wait3A_525 = tpu.memref_squeeze %dma_wait3A_524 : memref<1x128xi32, #tpu.memory_space<vmem>> -> memref<128xi32, #tpu.memory_space<vmem>>
    %dma_wait3A_526 = arith.constant 0 : i32
    %dma_wait3A_527 = tpu.memref_slice %arg8[%dma_wait3A_526] : memref<8388608xf32, #tpu.memory_space<hbm>> -> memref<8388608xf32, #tpu.memory_space<hbm>>
    tpu.wait_indirect_dma semaphore(%arg22 : memref<!tpu.dma_semaphore, #tpu.memory_space<semaphore_mem>>) src(%dma_wait3A_527 : memref<8388608xf32, #tpu.memory_space<hbm>>) dst(%dma_wait3A_522 : memref<128xf32, #tpu.memory_space<vmem>>)
    %dma_wait3A_528 = arith.constant 8 : i32
    %dma_wait3A_529 = arith.constant 8 : i32
    %dma_wait3A_530 = arith.constant 0 : i32
    %dma_wait3A_531 = tpu.memref_slice %arg18[%dma_wait3A_529, %dma_wait3A_530] : memref<16x128xf32, #tpu.memory_space<vmem>> -> memref<1x128xf32, #tpu.memory_space<vmem>>
    %dma_wait3A_532 = tpu.memref_squeeze %dma_wait3A_531 : memref<1x128xf32, #tpu.memory_space<vmem>> -> memref<128xf32, #tpu.memory_space<vmem>>
    %dma_wait3A_533 = arith.constant 0 : i32
    %dma_wait3A_534 = tpu.memref_slice %arg16[%dma_wait3A_528, %dma_wait3A_533] : memref<16x128xi32, #tpu.memory_space<vmem>> -> memref<1x128xi32, #tpu.memory_space<vmem>>
    %dma_wait3A_535 = tpu.memref_squeeze %dma_wait3A_534 : memref<1x128xi32, #tpu.memory_space<vmem>> -> memref<128xi32, #tpu.memory_space<vmem>>
    %dma_wait3A_536 = arith.constant 0 : i32
    %dma_wait3A_537 = tpu.memref_slice %arg8[%dma_wait3A_536] : memref<8388608xf32, #tpu.memory_space<hbm>> -> memref<8388608xf32, #tpu.memory_space<hbm>>
    tpu.wait_indirect_dma semaphore(%arg22 : memref<!tpu.dma_semaphore, #tpu.memory_space<semaphore_mem>>) src(%dma_wait3A_537 : memref<8388608xf32, #tpu.memory_space<hbm>>) dst(%dma_wait3A_532 : memref<128xf32, #tpu.memory_space<vmem>>)
    %dma_wait3A_538 = arith.constant 8 : i32
    %dma_wait3A_539 = arith.constant 8 : i32
    %dma_wait3A_540 = arith.constant 0 : i32
    %dma_wait3A_541 = tpu.memref_slice %arg19[%dma_wait3A_539, %dma_wait3A_540] : memref<16x128xf32, #tpu.memory_space<vmem>> -> memref<1x128xf32, #tpu.memory_space<vmem>>
    %dma_wait3A_542 = tpu.memref_squeeze %dma_wait3A_541 : memref<1x128xf32, #tpu.memory_space<vmem>> -> memref<128xf32, #tpu.memory_space<vmem>>
    %dma_wait3A_543 = arith.constant 0 : i32
    %dma_wait3A_544 = tpu.memref_slice %arg17[%dma_wait3A_538, %dma_wait3A_543] : memref<16x128xi32, #tpu.memory_space<vmem>> -> memref<1x128xi32, #tpu.memory_space<vmem>>
    %dma_wait3A_545 = tpu.memref_squeeze %dma_wait3A_544 : memref<1x128xi32, #tpu.memory_space<vmem>> -> memref<128xi32, #tpu.memory_space<vmem>>
    %dma_wait3A_546 = arith.constant 0 : i32
    %dma_wait3A_547 = tpu.memref_slice %arg8[%dma_wait3A_546] : memref<8388608xf32, #tpu.memory_space<hbm>> -> memref<8388608xf32, #tpu.memory_space<hbm>>
    tpu.wait_indirect_dma semaphore(%arg22 : memref<!tpu.dma_semaphore, #tpu.memory_space<semaphore_mem>>) src(%dma_wait3A_547 : memref<8388608xf32, #tpu.memory_space<hbm>>) dst(%dma_wait3A_542 : memref<128xf32, #tpu.memory_space<vmem>>)
    %dma_wait3A_548 = arith.constant 9 : i32
    %dma_wait3A_549 = arith.constant 9 : i32
    %dma_wait3A_550 = arith.constant 0 : i32
    %dma_wait3A_551 = tpu.memref_slice %arg18[%dma_wait3A_549, %dma_wait3A_550] : memref<16x128xf32, #tpu.memory_space<vmem>> -> memref<1x128xf32, #tpu.memory_space<vmem>>
    %dma_wait3A_552 = tpu.memref_squeeze %dma_wait3A_551 : memref<1x128xf32, #tpu.memory_space<vmem>> -> memref<128xf32, #tpu.memory_space<vmem>>
    %dma_wait3A_553 = arith.constant 0 : i32
    %dma_wait3A_554 = tpu.memref_slice %arg16[%dma_wait3A_548, %dma_wait3A_553] : memref<16x128xi32, #tpu.memory_space<vmem>> -> memref<1x128xi32, #tpu.memory_space<vmem>>
    %dma_wait3A_555 = tpu.memref_squeeze %dma_wait3A_554 : memref<1x128xi32, #tpu.memory_space<vmem>> -> memref<128xi32, #tpu.memory_space<vmem>>
    %dma_wait3A_556 = arith.constant 0 : i32
    %dma_wait3A_557 = tpu.memref_slice %arg8[%dma_wait3A_556] : memref<8388608xf32, #tpu.memory_space<hbm>> -> memref<8388608xf32, #tpu.memory_space<hbm>>
    tpu.wait_indirect_dma semaphore(%arg22 : memref<!tpu.dma_semaphore, #tpu.memory_space<semaphore_mem>>) src(%dma_wait3A_557 : memref<8388608xf32, #tpu.memory_space<hbm>>) dst(%dma_wait3A_552 : memref<128xf32, #tpu.memory_space<vmem>>)
    %dma_wait3A_558 = arith.constant 9 : i32
    %dma_wait3A_559 = arith.constant 9 : i32
    %dma_wait3A_560 = arith.constant 0 : i32
    %dma_wait3A_561 = tpu.memref_slice %arg19[%dma_wait3A_559, %dma_wait3A_560] : memref<16x128xf32, #tpu.memory_space<vmem>> -> memref<1x128xf32, #tpu.memory_space<vmem>>
    %dma_wait3A_562 = tpu.memref_squeeze %dma_wait3A_561 : memref<1x128xf32, #tpu.memory_space<vmem>> -> memref<128xf32, #tpu.memory_space<vmem>>
    %dma_wait3A_563 = arith.constant 0 : i32
    %dma_wait3A_564 = tpu.memref_slice %arg17[%dma_wait3A_558, %dma_wait3A_563] : memref<16x128xi32, #tpu.memory_space<vmem>> -> memref<1x128xi32, #tpu.memory_space<vmem>>
    %dma_wait3A_565 = tpu.memref_squeeze %dma_wait3A_564 : memref<1x128xi32, #tpu.memory_space<vmem>> -> memref<128xi32, #tpu.memory_space<vmem>>
    %dma_wait3A_566 = arith.constant 0 : i32
    %dma_wait3A_567 = tpu.memref_slice %arg8[%dma_wait3A_566] : memref<8388608xf32, #tpu.memory_space<hbm>> -> memref<8388608xf32, #tpu.memory_space<hbm>>
    tpu.wait_indirect_dma semaphore(%arg22 : memref<!tpu.dma_semaphore, #tpu.memory_space<semaphore_mem>>) src(%dma_wait3A_567 : memref<8388608xf32, #tpu.memory_space<hbm>>) dst(%dma_wait3A_562 : memref<128xf32, #tpu.memory_space<vmem>>)
    %dma_wait3A_568 = arith.constant 10 : i32
    %dma_wait3A_569 = arith.constant 10 : i32
    %dma_wait3A_570 = arith.constant 0 : i32
    %dma_wait3A_571 = tpu.memref_slice %arg18[%dma_wait3A_569, %dma_wait3A_570] : memref<16x128xf32, #tpu.memory_space<vmem>> -> memref<1x128xf32, #tpu.memory_space<vmem>>
    %dma_wait3A_572 = tpu.memref_squeeze %dma_wait3A_571 : memref<1x128xf32, #tpu.memory_space<vmem>> -> memref<128xf32, #tpu.memory_space<vmem>>
    %dma_wait3A_573 = arith.constant 0 : i32
    %dma_wait3A_574 = tpu.memref_slice %arg16[%dma_wait3A_568, %dma_wait3A_573] : memref<16x128xi32, #tpu.memory_space<vmem>> -> memref<1x128xi32, #tpu.memory_space<vmem>>
    %dma_wait3A_575 = tpu.memref_squeeze %dma_wait3A_574 : memref<1x128xi32, #tpu.memory_space<vmem>> -> memref<128xi32, #tpu.memory_space<vmem>>
    %dma_wait3A_576 = arith.constant 0 : i32
    %dma_wait3A_577 = tpu.memref_slice %arg8[%dma_wait3A_576] : memref<8388608xf32, #tpu.memory_space<hbm>> -> memref<8388608xf32, #tpu.memory_space<hbm>>
    tpu.wait_indirect_dma semaphore(%arg22 : memref<!tpu.dma_semaphore, #tpu.memory_space<semaphore_mem>>) src(%dma_wait3A_577 : memref<8388608xf32, #tpu.memory_space<hbm>>) dst(%dma_wait3A_572 : memref<128xf32, #tpu.memory_space<vmem>>)
    %dma_wait3A_578 = arith.constant 10 : i32
    %dma_wait3A_579 = arith.constant 10 : i32
    %dma_wait3A_580 = arith.constant 0 : i32
    %dma_wait3A_581 = tpu.memref_slice %arg19[%dma_wait3A_579, %dma_wait3A_580] : memref<16x128xf32, #tpu.memory_space<vmem>> -> memref<1x128xf32, #tpu.memory_space<vmem>>
    %dma_wait3A_582 = tpu.memref_squeeze %dma_wait3A_581 : memref<1x128xf32, #tpu.memory_space<vmem>> -> memref<128xf32, #tpu.memory_space<vmem>>
    %dma_wait3A_583 = arith.constant 0 : i32
    %dma_wait3A_584 = tpu.memref_slice %arg17[%dma_wait3A_578, %dma_wait3A_583] : memref<16x128xi32, #tpu.memory_space<vmem>> -> memref<1x128xi32, #tpu.memory_space<vmem>>
    %dma_wait3A_585 = tpu.memref_squeeze %dma_wait3A_584 : memref<1x128xi32, #tpu.memory_space<vmem>> -> memref<128xi32, #tpu.memory_space<vmem>>
    %dma_wait3A_586 = arith.constant 0 : i32
    %dma_wait3A_587 = tpu.memref_slice %arg8[%dma_wait3A_586] : memref<8388608xf32, #tpu.memory_space<hbm>> -> memref<8388608xf32, #tpu.memory_space<hbm>>
    tpu.wait_indirect_dma semaphore(%arg22 : memref<!tpu.dma_semaphore, #tpu.memory_space<semaphore_mem>>) src(%dma_wait3A_587 : memref<8388608xf32, #tpu.memory_space<hbm>>) dst(%dma_wait3A_582 : memref<128xf32, #tpu.memory_space<vmem>>)
    %dma_wait3A_588 = arith.constant 11 : i32
    %dma_wait3A_589 = arith.constant 11 : i32
    %dma_wait3A_590 = arith.constant 0 : i32
    %dma_wait3A_591 = tpu.memref_slice %arg18[%dma_wait3A_589, %dma_wait3A_590] : memref<16x128xf32, #tpu.memory_space<vmem>> -> memref<1x128xf32, #tpu.memory_space<vmem>>
    %dma_wait3A_592 = tpu.memref_squeeze %dma_wait3A_591 : memref<1x128xf32, #tpu.memory_space<vmem>> -> memref<128xf32, #tpu.memory_space<vmem>>
    %dma_wait3A_593 = arith.constant 0 : i32
    %dma_wait3A_594 = tpu.memref_slice %arg16[%dma_wait3A_588, %dma_wait3A_593] : memref<16x128xi32, #tpu.memory_space<vmem>> -> memref<1x128xi32, #tpu.memory_space<vmem>>
    %dma_wait3A_595 = tpu.memref_squeeze %dma_wait3A_594 : memref<1x128xi32, #tpu.memory_space<vmem>> -> memref<128xi32, #tpu.memory_space<vmem>>
    %dma_wait3A_596 = arith.constant 0 : i32
    %dma_wait3A_597 = tpu.memref_slice %arg8[%dma_wait3A_596] : memref<8388608xf32, #tpu.memory_space<hbm>> -> memref<8388608xf32, #tpu.memory_space<hbm>>
    tpu.wait_indirect_dma semaphore(%arg22 : memref<!tpu.dma_semaphore, #tpu.memory_space<semaphore_mem>>) src(%dma_wait3A_597 : memref<8388608xf32, #tpu.memory_space<hbm>>) dst(%dma_wait3A_592 : memref<128xf32, #tpu.memory_space<vmem>>)
    %dma_wait3A_598 = arith.constant 11 : i32
    %dma_wait3A_599 = arith.constant 11 : i32
    %dma_wait3A_600 = arith.constant 0 : i32
    %dma_wait3A_601 = tpu.memref_slice %arg19[%dma_wait3A_599, %dma_wait3A_600] : memref<16x128xf32, #tpu.memory_space<vmem>> -> memref<1x128xf32, #tpu.memory_space<vmem>>
    %dma_wait3A_602 = tpu.memref_squeeze %dma_wait3A_601 : memref<1x128xf32, #tpu.memory_space<vmem>> -> memref<128xf32, #tpu.memory_space<vmem>>
    %dma_wait3A_603 = arith.constant 0 : i32
    %dma_wait3A_604 = tpu.memref_slice %arg17[%dma_wait3A_598, %dma_wait3A_603] : memref<16x128xi32, #tpu.memory_space<vmem>> -> memref<1x128xi32, #tpu.memory_space<vmem>>
    %dma_wait3A_605 = tpu.memref_squeeze %dma_wait3A_604 : memref<1x128xi32, #tpu.memory_space<vmem>> -> memref<128xi32, #tpu.memory_space<vmem>>
    %dma_wait3A_606 = arith.constant 0 : i32
    %dma_wait3A_607 = tpu.memref_slice %arg8[%dma_wait3A_606] : memref<8388608xf32, #tpu.memory_space<hbm>> -> memref<8388608xf32, #tpu.memory_space<hbm>>
    tpu.wait_indirect_dma semaphore(%arg22 : memref<!tpu.dma_semaphore, #tpu.memory_space<semaphore_mem>>) src(%dma_wait3A_607 : memref<8388608xf32, #tpu.memory_space<hbm>>) dst(%dma_wait3A_602 : memref<128xf32, #tpu.memory_space<vmem>>)
    %dma_wait3A_608 = arith.constant 12 : i32
    %dma_wait3A_609 = arith.constant 12 : i32
    %dma_wait3A_610 = arith.constant 0 : i32
    %dma_wait3A_611 = tpu.memref_slice %arg18[%dma_wait3A_609, %dma_wait3A_610] : memref<16x128xf32, #tpu.memory_space<vmem>> -> memref<1x128xf32, #tpu.memory_space<vmem>>
    %dma_wait3A_612 = tpu.memref_squeeze %dma_wait3A_611 : memref<1x128xf32, #tpu.memory_space<vmem>> -> memref<128xf32, #tpu.memory_space<vmem>>
    %dma_wait3A_613 = arith.constant 0 : i32
    %dma_wait3A_614 = tpu.memref_slice %arg16[%dma_wait3A_608, %dma_wait3A_613] : memref<16x128xi32, #tpu.memory_space<vmem>> -> memref<1x128xi32, #tpu.memory_space<vmem>>
    %dma_wait3A_615 = tpu.memref_squeeze %dma_wait3A_614 : memref<1x128xi32, #tpu.memory_space<vmem>> -> memref<128xi32, #tpu.memory_space<vmem>>
    %dma_wait3A_616 = arith.constant 0 : i32
    %dma_wait3A_617 = tpu.memref_slice %arg8[%dma_wait3A_616] : memref<8388608xf32, #tpu.memory_space<hbm>> -> memref<8388608xf32, #tpu.memory_space<hbm>>
    tpu.wait_indirect_dma semaphore(%arg22 : memref<!tpu.dma_semaphore, #tpu.memory_space<semaphore_mem>>) src(%dma_wait3A_617 : memref<8388608xf32, #tpu.memory_space<hbm>>) dst(%dma_wait3A_612 : memref<128xf32, #tpu.memory_space<vmem>>)
    %dma_wait3A_618 = arith.constant 12 : i32
    %dma_wait3A_619 = arith.constant 12 : i32
    %dma_wait3A_620 = arith.constant 0 : i32
    %dma_wait3A_621 = tpu.memref_slice %arg19[%dma_wait3A_619, %dma_wait3A_620] : memref<16x128xf32, #tpu.memory_space<vmem>> -> memref<1x128xf32, #tpu.memory_space<vmem>>
    %dma_wait3A_622 = tpu.memref_squeeze %dma_wait3A_621 : memref<1x128xf32, #tpu.memory_space<vmem>> -> memref<128xf32, #tpu.memory_space<vmem>>
    %dma_wait3A_623 = arith.constant 0 : i32
    %dma_wait3A_624 = tpu.memref_slice %arg17[%dma_wait3A_618, %dma_wait3A_623] : memref<16x128xi32, #tpu.memory_space<vmem>> -> memref<1x128xi32, #tpu.memory_space<vmem>>
    %dma_wait3A_625 = tpu.memref_squeeze %dma_wait3A_624 : memref<1x128xi32, #tpu.memory_space<vmem>> -> memref<128xi32, #tpu.memory_space<vmem>>
    %dma_wait3A_626 = arith.constant 0 : i32
    %dma_wait3A_627 = tpu.memref_slice %arg8[%dma_wait3A_626] : memref<8388608xf32, #tpu.memory_space<hbm>> -> memref<8388608xf32, #tpu.memory_space<hbm>>
    tpu.wait_indirect_dma semaphore(%arg22 : memref<!tpu.dma_semaphore, #tpu.memory_space<semaphore_mem>>) src(%dma_wait3A_627 : memref<8388608xf32, #tpu.memory_space<hbm>>) dst(%dma_wait3A_622 : memref<128xf32, #tpu.memory_space<vmem>>)
    %dma_wait3A_628 = arith.constant 13 : i32
    %dma_wait3A_629 = arith.constant 13 : i32
    %dma_wait3A_630 = arith.constant 0 : i32
    %dma_wait3A_631 = tpu.memref_slice %arg18[%dma_wait3A_629, %dma_wait3A_630] : memref<16x128xf32, #tpu.memory_space<vmem>> -> memref<1x128xf32, #tpu.memory_space<vmem>>
    %dma_wait3A_632 = tpu.memref_squeeze %dma_wait3A_631 : memref<1x128xf32, #tpu.memory_space<vmem>> -> memref<128xf32, #tpu.memory_space<vmem>>
    %dma_wait3A_633 = arith.constant 0 : i32
    %dma_wait3A_634 = tpu.memref_slice %arg16[%dma_wait3A_628, %dma_wait3A_633] : memref<16x128xi32, #tpu.memory_space<vmem>> -> memref<1x128xi32, #tpu.memory_space<vmem>>
    %dma_wait3A_635 = tpu.memref_squeeze %dma_wait3A_634 : memref<1x128xi32, #tpu.memory_space<vmem>> -> memref<128xi32, #tpu.memory_space<vmem>>
    %dma_wait3A_636 = arith.constant 0 : i32
    %dma_wait3A_637 = tpu.memref_slice %arg8[%dma_wait3A_636] : memref<8388608xf32, #tpu.memory_space<hbm>> -> memref<8388608xf32, #tpu.memory_space<hbm>>
    tpu.wait_indirect_dma semaphore(%arg22 : memref<!tpu.dma_semaphore, #tpu.memory_space<semaphore_mem>>) src(%dma_wait3A_637 : memref<8388608xf32, #tpu.memory_space<hbm>>) dst(%dma_wait3A_632 : memref<128xf32, #tpu.memory_space<vmem>>)
    %dma_wait3A_638 = arith.constant 13 : i32
    %dma_wait3A_639 = arith.constant 13 : i32
    %dma_wait3A_640 = arith.constant 0 : i32
    %dma_wait3A_641 = tpu.memref_slice %arg19[%dma_wait3A_639, %dma_wait3A_640] : memref<16x128xf32, #tpu.memory_space<vmem>> -> memref<1x128xf32, #tpu.memory_space<vmem>>
    %dma_wait3A_642 = tpu.memref_squeeze %dma_wait3A_641 : memref<1x128xf32, #tpu.memory_space<vmem>> -> memref<128xf32, #tpu.memory_space<vmem>>
    %dma_wait3A_643 = arith.constant 0 : i32
    %dma_wait3A_644 = tpu.memref_slice %arg17[%dma_wait3A_638, %dma_wait3A_643] : memref<16x128xi32, #tpu.memory_space<vmem>> -> memref<1x128xi32, #tpu.memory_space<vmem>>
    %dma_wait3A_645 = tpu.memref_squeeze %dma_wait3A_644 : memref<1x128xi32, #tpu.memory_space<vmem>> -> memref<128xi32, #tpu.memory_space<vmem>>
    %dma_wait3A_646 = arith.constant 0 : i32
    %dma_wait3A_647 = tpu.memref_slice %arg8[%dma_wait3A_646] : memref<8388608xf32, #tpu.memory_space<hbm>> -> memref<8388608xf32, #tpu.memory_space<hbm>>
    tpu.wait_indirect_dma semaphore(%arg22 : memref<!tpu.dma_semaphore, #tpu.memory_space<semaphore_mem>>) src(%dma_wait3A_647 : memref<8388608xf32, #tpu.memory_space<hbm>>) dst(%dma_wait3A_642 : memref<128xf32, #tpu.memory_space<vmem>>)
    %dma_wait3A_648 = arith.constant 14 : i32
    %dma_wait3A_649 = arith.constant 14 : i32
    %dma_wait3A_650 = arith.constant 0 : i32
    %dma_wait3A_651 = tpu.memref_slice %arg18[%dma_wait3A_649, %dma_wait3A_650] : memref<16x128xf32, #tpu.memory_space<vmem>> -> memref<1x128xf32, #tpu.memory_space<vmem>>
    %dma_wait3A_652 = tpu.memref_squeeze %dma_wait3A_651 : memref<1x128xf32, #tpu.memory_space<vmem>> -> memref<128xf32, #tpu.memory_space<vmem>>
    %dma_wait3A_653 = arith.constant 0 : i32
    %dma_wait3A_654 = tpu.memref_slice %arg16[%dma_wait3A_648, %dma_wait3A_653] : memref<16x128xi32, #tpu.memory_space<vmem>> -> memref<1x128xi32, #tpu.memory_space<vmem>>
    %dma_wait3A_655 = tpu.memref_squeeze %dma_wait3A_654 : memref<1x128xi32, #tpu.memory_space<vmem>> -> memref<128xi32, #tpu.memory_space<vmem>>
    %dma_wait3A_656 = arith.constant 0 : i32
    %dma_wait3A_657 = tpu.memref_slice %arg8[%dma_wait3A_656] : memref<8388608xf32, #tpu.memory_space<hbm>> -> memref<8388608xf32, #tpu.memory_space<hbm>>
    tpu.wait_indirect_dma semaphore(%arg22 : memref<!tpu.dma_semaphore, #tpu.memory_space<semaphore_mem>>) src(%dma_wait3A_657 : memref<8388608xf32, #tpu.memory_space<hbm>>) dst(%dma_wait3A_652 : memref<128xf32, #tpu.memory_space<vmem>>)
    %dma_wait3A_658 = arith.constant 14 : i32
    %dma_wait3A_659 = arith.constant 14 : i32
    %dma_wait3A_660 = arith.constant 0 : i32
    %dma_wait3A_661 = tpu.memref_slice %arg19[%dma_wait3A_659, %dma_wait3A_660] : memref<16x128xf32, #tpu.memory_space<vmem>> -> memref<1x128xf32, #tpu.memory_space<vmem>>
    %dma_wait3A_662 = tpu.memref_squeeze %dma_wait3A_661 : memref<1x128xf32, #tpu.memory_space<vmem>> -> memref<128xf32, #tpu.memory_space<vmem>>
    %dma_wait3A_663 = arith.constant 0 : i32
    %dma_wait3A_664 = tpu.memref_slice %arg17[%dma_wait3A_658, %dma_wait3A_663] : memref<16x128xi32, #tpu.memory_space<vmem>> -> memref<1x128xi32, #tpu.memory_space<vmem>>
    %dma_wait3A_665 = tpu.memref_squeeze %dma_wait3A_664 : memref<1x128xi32, #tpu.memory_space<vmem>> -> memref<128xi32, #tpu.memory_space<vmem>>
    %dma_wait3A_666 = arith.constant 0 : i32
    %dma_wait3A_667 = tpu.memref_slice %arg8[%dma_wait3A_666] : memref<8388608xf32, #tpu.memory_space<hbm>> -> memref<8388608xf32, #tpu.memory_space<hbm>>
    tpu.wait_indirect_dma semaphore(%arg22 : memref<!tpu.dma_semaphore, #tpu.memory_space<semaphore_mem>>) src(%dma_wait3A_667 : memref<8388608xf32, #tpu.memory_space<hbm>>) dst(%dma_wait3A_662 : memref<128xf32, #tpu.memory_space<vmem>>)
    %dma_wait3A_668 = arith.constant 15 : i32
    %dma_wait3A_669 = arith.constant 15 : i32
    %dma_wait3A_670 = arith.constant 0 : i32
    %dma_wait3A_671 = tpu.memref_slice %arg18[%dma_wait3A_669, %dma_wait3A_670] : memref<16x128xf32, #tpu.memory_space<vmem>> -> memref<1x128xf32, #tpu.memory_space<vmem>>
    %dma_wait3A_672 = tpu.memref_squeeze %dma_wait3A_671 : memref<1x128xf32, #tpu.memory_space<vmem>> -> memref<128xf32, #tpu.memory_space<vmem>>
    %dma_wait3A_673 = arith.constant 0 : i32
    %dma_wait3A_674 = tpu.memref_slice %arg16[%dma_wait3A_668, %dma_wait3A_673] : memref<16x128xi32, #tpu.memory_space<vmem>> -> memref<1x128xi32, #tpu.memory_space<vmem>>
    %dma_wait3A_675 = tpu.memref_squeeze %dma_wait3A_674 : memref<1x128xi32, #tpu.memory_space<vmem>> -> memref<128xi32, #tpu.memory_space<vmem>>
    %dma_wait3A_676 = arith.constant 0 : i32
    %dma_wait3A_677 = tpu.memref_slice %arg8[%dma_wait3A_676] : memref<8388608xf32, #tpu.memory_space<hbm>> -> memref<8388608xf32, #tpu.memory_space<hbm>>
    tpu.wait_indirect_dma semaphore(%arg22 : memref<!tpu.dma_semaphore, #tpu.memory_space<semaphore_mem>>) src(%dma_wait3A_677 : memref<8388608xf32, #tpu.memory_space<hbm>>) dst(%dma_wait3A_672 : memref<128xf32, #tpu.memory_space<vmem>>)
    %dma_wait3A_678 = arith.constant 15 : i32
    %dma_wait3A_679 = arith.constant 15 : i32
    %dma_wait3A_680 = arith.constant 0 : i32
    %dma_wait3A_681 = tpu.memref_slice %arg19[%dma_wait3A_679, %dma_wait3A_680] : memref<16x128xf32, #tpu.memory_space<vmem>> -> memref<1x128xf32, #tpu.memory_space<vmem>>
    %dma_wait3A_682 = tpu.memref_squeeze %dma_wait3A_681 : memref<1x128xf32, #tpu.memory_space<vmem>> -> memref<128xf32, #tpu.memory_space<vmem>>
    %dma_wait3A_683 = arith.constant 0 : i32
    %dma_wait3A_684 = tpu.memref_slice %arg17[%dma_wait3A_678, %dma_wait3A_683] : memref<16x128xi32, #tpu.memory_space<vmem>> -> memref<1x128xi32, #tpu.memory_space<vmem>>
    %dma_wait3A_685 = tpu.memref_squeeze %dma_wait3A_684 : memref<1x128xi32, #tpu.memory_space<vmem>> -> memref<128xi32, #tpu.memory_space<vmem>>
    %dma_wait3A_686 = arith.constant 0 : i32
    %dma_wait3A_687 = tpu.memref_slice %arg8[%dma_wait3A_686] : memref<8388608xf32, #tpu.memory_space<hbm>> -> memref<8388608xf32, #tpu.memory_space<hbm>>
    tpu.wait_indirect_dma semaphore(%arg22 : memref<!tpu.dma_semaphore, #tpu.memory_space<semaphore_mem>>) src(%dma_wait3A_687 : memref<8388608xf32, #tpu.memory_space<hbm>>) dst(%dma_wait3A_682 : memref<128xf32, #tpu.memory_space<vmem>>)
    %broadcast_in_dim3A = arith.constant 0.000000e+00 : f32
    %broadcast_in_dim3A_688 = vector.broadcast %broadcast_in_dim3A : f32 to vector<16xf32>
    %scan3A_689 = arith.constant 0 : i32
    %scan3A_690 = arith.constant 128 : i32
    %scan3A_691 = arith.addi %scan3A_689, %scan3A_690 : i32
    %scan3A_692 = arith.constant 1 : i32
    %scan3A_693 = scf.for %scan3A_698 = %scan3A_689 to %scan3A_691 step %scan3A_692 iter_args(%scan3A_699 = %broadcast_in_dim3A_688) -> (vector<16xf32>)  : i32 {
      %mul3A_700 = arith.constant 16 : i32
      %mul3A_701 = arith.muli %scan3A_698, %mul3A_700 : i32
      %multiple_of3A = tpu.assume_multiple %mul3A_701, 16 : i32
      %jit3A_702 = arith.constant 8 : i32
      %div3A_703 = arith.divsi %scan3A_698, %jit3A_702 : i32
      %sign3A_704 = arith.constant 0 : i32
      %sign3A_705 = arith.cmpi sgt, %scan3A_698, %sign3A_704 : i32
      %sign3A_706 = arith.extui %sign3A_705 : i1 to i32
      %sign3A_707 = arith.constant 0 : i32
      %sign3A_708 = arith.cmpi slt, %scan3A_698, %sign3A_707 : i32
      %sign3A_709 = arith.extui %sign3A_708 : i1 to i32
      %sign3A_710 = arith.subi %sign3A_706, %sign3A_709 : i32
      %sign3A_711 = arith.constant 0 : i32
      %sign3A_712 = arith.cmpi sgt, %jit3A_702, %sign3A_711 : i32
      %sign3A_713 = arith.extui %sign3A_712 : i1 to i32
      %sign3A_714 = arith.constant 0 : i32
      %sign3A_715 = arith.cmpi slt, %jit3A_702, %sign3A_714 : i32
      %sign3A_716 = arith.extui %sign3A_715 : i1 to i32
      %sign3A_717 = arith.subi %sign3A_713, %sign3A_716 : i32
      %ne3A_718 = arith.cmpi ne, %sign3A_710, %sign3A_717 : i32
      %rem3A_719 = arith.remsi %scan3A_698, %jit3A_702 : i32
      %ne3A_720 = arith.constant 0 : i32
      %ne3A_721 = arith.cmpi ne, %rem3A_719, %ne3A_720 : i32
      %and3A_722 = arith.andi %ne3A_718, %ne3A_721 : i1
      %sub3A_723 = arith.constant 1 : i32
      %sub3A_724 = arith.subi %div3A_703, %sub3A_723 : i32
      %select_n3A_725 = arith.select %and3A_722, %sub3A_724, %div3A_703 : i32
      %jit3A_726 = arith.constant 8 : i32
      %eq3A = arith.constant 0 : i32
      %eq3A_727 = arith.cmpi eq, %jit3A_726, %eq3A : i32
      %jit3A_728 = arith.constant 1 : i32
      %select_n3A_729 = arith.select %eq3A_727, %jit3A_728, %jit3A_726 : i32
      %rem3A_730 = arith.remsi %scan3A_698, %select_n3A_729 : i32
      %ne3A_731 = arith.constant 0 : i32
      %ne3A_732 = arith.cmpi ne, %rem3A_730, %ne3A_731 : i32
      %lt3A = arith.constant 0 : i32
      %lt3A_733 = arith.cmpi slt, %rem3A_730, %lt3A : i32
      %lt3A_734 = arith.constant 0 : i32
      %lt3A_735 = arith.cmpi slt, %select_n3A_729, %lt3A_734 : i32
      %ne3A_736 = arith.xori %lt3A_733, %lt3A_735 : i1
      %and3A_737 = arith.andi %ne3A_736, %ne3A_732 : i1
      %add3A_738 = arith.addi %rem3A_730, %select_n3A_729 : i32
      %select_n3A_739 = arith.select %and3A_737, %add3A_738, %rem3A_730 : i32
      %mul3A_740 = arith.constant 16 : i32
      %mul3A_741 = arith.muli %select_n3A_739, %mul3A_740 : i32
      %multiple_of3A_742 = tpu.assume_multiple %mul3A_741, 16 : i32
      %get3A = arith.index_cast %select_n3A_725 : i32 to index
      %get3A_743 = arith.index_cast %multiple_of3A_742 : i32 to index
      %get3A_744 = tpu.vector_load %arg18[%get3A, %get3A_743] {strides = array<i32>} : memref<16x128xf32, #tpu.memory_space<vmem>>, vector<1x16xf32>,
      %get3A_745 = vector.shape_cast %get3A_744 : vector<1x16xf32> to vector<16xf32>
      %get3A_746 = arith.index_cast %select_n3A_725 : i32 to index
      %get3A_747 = arith.index_cast %multiple_of3A_742 : i32 to index
      %get3A_748 = tpu.vector_load %arg19[%get3A_746, %get3A_747] {strides = array<i32>} : memref<16x128xf32, #tpu.memory_space<vmem>>, vector<1x16xf32>,
      %get3A_749 = vector.shape_cast %get3A_748 : vector<1x16xf32> to vector<16xf32>
      %get3A_750 = arith.index_cast %multiple_of3A : i32 to index
      %get3A_751 = tpu.vector_load %arg10[%get3A_750] {strides = array<i32>} : memref<2048xi32, #tpu.memory_space<vmem>>, vector<16xi32>,
      %get3A_752 = vector.shape_cast %get3A_751 : vector<16xi32> to vector<16xi32>
      %convert_element_type3A = arith.sitofp %get3A_752 : vector<16xi32> to vector<16xf32>
      %get3A_753 = arith.index_cast %multiple_of3A : i32 to index
      %get3A_754 = tpu.vector_load %arg11[%get3A_753] {strides = array<i32>} : memref<2048xi32, #tpu.memory_space<vmem>>, vector<16xi32>,
      %get3A_755 = vector.shape_cast %get3A_754 : vector<16xi32> to vector<16xi32>
      %convert_element_type3A_756 = arith.sitofp %get3A_755 : vector<16xi32> to vector<16xf32>
      %get3A_757 = arith.index_cast %multiple_of3A : i32 to index
      %get3A_758 = tpu.vector_load %arg14[%get3A_757] {strides = array<i32>} : memref<2048xi32, #tpu.memory_space<vmem>>, vector<16xi32>,
      %get3A_759 = vector.shape_cast %get3A_758 : vector<16xi32> to vector<16xi32>
      %get3A_760 = arith.index_cast %multiple_of3A : i32 to index
      %get3A_761 = tpu.vector_load %arg15[%get3A_760] {strides = array<i32>} : memref<2048xi32, #tpu.memory_space<vmem>>, vector<16xi32>,
      %get3A_762 = vector.shape_cast %get3A_761 : vector<16xi32> to vector<16xi32>
      %mul3A_763 = arith.muli %get3A_759, %get3A_762 : vector<16xi32>
      %convert_element_type3A_764 = arith.sitofp %mul3A_763 : vector<16xi32> to vector<16xf32>
      %add3A_765 = arith.addf %convert_element_type3A, %get3A_745 : vector<16xf32>
      %get3A_766 = arith.index_cast %multiple_of3A : i32 to index
      %get3A_767 = tpu.vector_load %arg12[%get3A_766] {strides = array<i32>} : memref<2048xf32, #tpu.memory_space<vmem>>, vector<16xf32>,
      %get3A_768 = vector.shape_cast %get3A_767 : vector<16xf32> to vector<16xf32>
      %sub3A_769 = arith.subf %add3A_765, %get3A_768 : vector<16xf32>
      %add3A_770 = arith.addf %convert_element_type3A_756, %get3A_749 : vector<16xf32>
      %get3A_771 = arith.index_cast %multiple_of3A : i32 to index
      %get3A_772 = tpu.vector_load %arg13[%get3A_771] {strides = array<i32>} : memref<2048xf32, #tpu.memory_space<vmem>>, vector<16xf32>,
      %get3A_773 = vector.shape_cast %get3A_772 : vector<16xf32> to vector<16xf32>
      %sub3A_774 = arith.subf %add3A_770, %get3A_773 : vector<16xf32>
      %mul3A_775 = arith.mulf %sub3A_769, %sub3A_769 : vector<16xf32>
      %mul3A_776 = arith.mulf %sub3A_774, %sub3A_774 : vector<16xf32>
      %add3A_777 = arith.addf %mul3A_775, %mul3A_776 : vector<16xf32>
      %mul3A_778 = arith.mulf %convert_element_type3A_764, %add3A_777 : vector<16xf32>
      %add3A_779 = arith.addf %scan3A_699, %mul3A_778 : vector<16xf32>
      scf.yield %add3A_779 : vector<16xf32>
    }
    %scan3A_694 = arith.constant 128 : i32
    %swap3A = arith.constant 0 : index
    %swap3A_695 = tpu.vector_load %arg20[%swap3A] {strides = array<i32>} : memref<16xf32, #tpu.memory_space<vmem>>, vector<16xf32>,
    %swap3A_696 = vector.shape_cast %swap3A_695 : vector<16xf32> to vector<16xf32>
    %swap3A_697 = vector.shape_cast %scan3A_693 : vector<16xf32> to vector<16xf32>
    tpu.vector_store %arg20[%swap3A], %swap3A_697 {strides = array<i32>} : memref<16xf32, #tpu.memory_space<vmem>>, vector<16xf32>,
    "tpu.region"() ({
      %run_scoped3A = tpu.sem_alloc : memref<!tpu.dma_semaphore, #tpu.memory_space<semaphore_mem>>
      %dma_start3A_698 = arith.constant 0 : i32
      %dma_start3A_699 = tpu.memref_slice %arg9[%add3A, %dma_start3A_698] : memref<32x16xf32, #tpu.memory_space<hbm>> -> memref<1x16xf32, #tpu.memory_space<hbm>>
      %dma_start3A_700 = tpu.memref_squeeze %dma_start3A_699 : memref<1x16xf32, #tpu.memory_space<hbm>> -> memref<16xf32, #tpu.memory_space<hbm>>
      %dma_start3A_701 = arith.constant 0 : i32
      %dma_start3A_702 = tpu.memref_slice %arg9[%add3A, %dma_start3A_701] : memref<32x16xf32, #tpu.memory_space<hbm>> -> memref<1x16xf32, #tpu.memory_space<hbm>>
      %dma_start3A_703 = tpu.memref_squeeze %dma_start3A_702 : memref<1x16xf32, #tpu.memory_space<hbm>> -> memref<16xf32, #tpu.memory_space<hbm>>
      tpu.enqueue_dma source(%arg20 : memref<16xf32, #tpu.memory_space<vmem>>) target(%dma_start3A_703 : memref<16xf32, #tpu.memory_space<hbm>>) target_semaphore(%run_scoped3A : memref<!tpu.dma_semaphore, #tpu.memory_space<semaphore_mem>>)
      %dma_wait3A_704 = arith.constant 0 : i32
      %dma_wait3A_705 = tpu.memref_slice %arg9[%add3A, %dma_wait3A_704] : memref<32x16xf32, #tpu.memory_space<hbm>> -> memref<1x16xf32, #tpu.memory_space<hbm>>
      %dma_wait3A_706 = tpu.memref_squeeze %dma_wait3A_705 : memref<1x16xf32, #tpu.memory_space<hbm>> -> memref<16xf32, #tpu.memory_space<hbm>>
      %dma_wait3A_707 = arith.constant 0 : i32
      %dma_wait3A_708 = tpu.memref_slice %arg9[%add3A, %dma_wait3A_707] : memref<32x16xf32, #tpu.memory_space<hbm>> -> memref<1x16xf32, #tpu.memory_space<hbm>>
      %dma_wait3A_709 = tpu.memref_squeeze %dma_wait3A_708 : memref<1x16xf32, #tpu.memory_space<hbm>> -> memref<16xf32, #tpu.memory_space<hbm>>
      tpu.wait_dma2 semaphore(%run_scoped3A : memref<!tpu.dma_semaphore, #tpu.memory_space<semaphore_mem>>) src(%arg20 : memref<16xf32, #tpu.memory_space<vmem>>) dst(%dma_wait3A_709 : memref<16xf32, #tpu.memory_space<hbm>>)
      tpu.yield
    }) : () -> ()
    return
  }
}

</mosaic_0001>

<sc_bundles>
// kernel: kernel.3.cloned.1.call-start
scs
__scs_entry_jumppad:
0x0: {  	(pc) =	sbr.rel $0x88, $3  }
0x1: {  	(tag) =	ssettag $0x0;
	lr =	simm.s32 $0x1  }
0x2: {  	[smem:$0x3F9C] =	sst lr;
	_ =	strace $0xD0000000  }
0x3: {  	_ = 	snop  }
0x4: {  	_ = 	snop  }
0x5: {  	_ = 	snop  }
0x6: {  	_ = 	snop  }
0x7: {  	_ = 	snop  }
__scs_overlays_trampoline_lowered:
0x8: {  	[smem:$0x3FAB] =	sst s0  }
0x9: {  	[smem:$0x3FAC] =	sst s1  }
0xa: {  	[smem:$0x3FAD] =	sst s2  }
0xb: {  	[smem:$0x3FAE] =	sst s3  }
0xc: {  	[smem:$0x3FAF] =	sst s4  }
0xd: {  	[smem:$0x3FB0] =	sst s5  }
0xe: {  	[smem:$0x3FB1] =	sst s6  }
0xf: {  	[smem:$0x3FB2] =	sst s7  }
0x10: {  	[smem:$0x3FB3] =	sst s8  }
0x11: {  	[smem:$0x3FB4] =	sst s9;
	s0 =	simm.s32 @!p0 $0x0  }
0x12: {  	s1 =	sld [smem:$0x3F9A];
	s0 =	simm.s32 @p0 $0x1  }
0x13: {  	[smem:$0x3FB5] =	sst s0;
	s0 =	simm.s32 @!p1 $0x0  }
0x14: {  	s2 =	sld [smem:$0x3F99];
	s0 =	simm.s32 @p1 $0x1  }
0x15: {  	[smem:$0x3FB6] =	sst s0;
	s0 =	simm.s32 @!p2 $0x0  }
0x16: {  	s3 =	sld [smem:$0x3FDB];
	s0 =	simm.s32 @p2 $0x1  }
0x17: {  	s4 =	simm.s32 $0x1BF5;
	[smem:$0x3FB8] =	sst s0  }
0x18: {  	s0 =	sld [smem:$0x3F9B];
	_ =	swait.ge [sflag:s4], $0x0  }
0x19: {  	s7 =	sld [smem:$0x3F9C]  }
0x1a: {  	s8 =	sadd.s32 $0xFFFFE003, lr  }
0x1b: {  	s9 =	sadd.s32 $0xFFFFFEF7, lr;
	s5 =	simm.s32 $0xFFFFFFFF;
	p2 =	slt.u32 s8, $0xFFFFF086  }
0x1c: {  	p1 =	slt.u32 s9, $0xF7A;
	s5 =	simm.s32 @!p2 $0x0  }
0x1d: {  	s5 =	simm.s32 @p1 $0x1;
	p0 =	seq.s32 s7, s2  }
0x1e: {  	s7 =	smul.u32 @!p0 $0xF7A, s2;
	p2 =	seq.s32 @!p0 s5, $0x0  }
0x1f: {  	s9 =	smul.u32 $0xF7A, s1;
	s8 =	simm.s32 @!p0 $0x1BF5;
	p2 =	por !p2, p0  }
0x20: {  	[sflag:s8] =	ssyncset.s32 @!p0 $0xFFFFF086;
	s6 =	sadd.s32 @!p0 s3, s7;
	s7 =	simm.s32 @!p0 $0x108  }
0x21: {  	s3 =	sadd.s32 s3, s9;
	s6 =	sadd.s32 @!p0 $0x88, s6;
	s7 =	simm.s32 @p2 $0x1082  }
0x22: {  	[simem:s7], [sflag:s8] =	dma.local @!p0 [hbm:s6], $0xF7A  }
0x23: {  	s9 =	sor.u32 $0xD0000000, s2;
	s6 =	simm.s32 $0x108;
	_ =	swait.ge @!p0 [sflag:s8], $0x0  }
0x24: {  	s3 =	sadd.s32 $0x88, s3;
	s6 =	simm.s32 @!p1 $0x1082;
	[sflag:s4] =	ssyncset.s32 $0xFFFFF086  }
0x25: {  	[simem:s6], [sflag:s4] =	dma.local [hbm:s3], $0xF7A  }
0x26: {  	[smem:$0x3F9C] =	sst s1;
	(tag) =	ssettag s2;
	_ =	strace s9  }
0x27: {  	s1 =	sld [smem:$0x3FAC]  }
0x28: {  	s2 =	sld [smem:$0x3FAD]  }
0x29: {  	s4 =	sld [smem:$0x3FAF]  }
0x2a: {  	p0 =	seq.s32 s5, $0x0;
	s5 =	sld [smem:$0x3FB0]  }
0x2b: {  	s6 =	sld [smem:$0x3FB1]  }
0x2c: {  	s7 =	sld [smem:$0x3FB2]  }
0x2d: {  	s3 =	simm.s32 $0x108;
	s8 =	sld [smem:$0x3FB3]  }
0x2e: {  	s3 =	simm.s32 @!p0 $0x1082;
	s9 =	sld [smem:$0x3FB4]  }
0x2f: {  	lr =	sadd.s32 s0, s3;
	s0 =	sld [smem:$0x3FAB]  }
0x30: {  	s3 =	sld [smem:$0x3FAE]  }
0x31: {  	[smem:$0x3FB7] =	sst s10  }
0x32: {  	s10 =	sld [smem:$0x3FB5];
	_ =	sdelay $0x3  }
0x33: {  	p0 =	seq.s32 s10, $0x1;
	s10 =	sld [smem:$0x3FB7];
	_ =	sdelay $0x3  }
0x34: {  	[smem:$0x3FB7] =	sst s10  }
0x35: {  	s10 =	sld [smem:$0x3FB6];
	_ =	sdelay $0x3  }
0x36: {  	p1 =	seq.s32 s10, $0x1;
	s10 =	sld [smem:$0x3FB7];
	_ =	sdelay $0x3  }
0x37: {  	[smem:$0x3FB7] =	sst s10  }
0x38: {  	s10 =	sld [smem:$0x3FB8]  }
0x39: {  	_ = 	snop;
	(pc) =	sbr.ind lr, $3  }
0x3a: {  	_ = 	snop  }
0x3b: {  	_ = 	snop  }
0x3c: {  	p2 =	seq.s32 s10, $0x1;
	s10 =	sld [smem:$0x3FB7]  }
0x3d: {  	_ =	shalt  }
0x3e: {  	_ =	shalt  }
0x3f: {  	_ =	shalt  }
0x40: {  	_ =	shalt  }
0x41: {  	_ =	shalt  }
0x42: {  	_ =	shalt  }
0x43: {  	_ =	shalt  }
0x44: {  	_ =	shalt  }
0x45: {  	_ =	shalt  }
0x46: {  	_ =	shalt  }
0x47: {  	_ =	shalt  }
0x48: {  	_ =	shalt  }
0x49: {  	_ =	shalt  }
0x4a: {  	_ =	shalt  }
0x4b: {  	_ =	shalt  }
0x4c: {  	_ =	shalt  }
0x4d: {  	_ =	shalt  }
0x4e: {  	_ =	shalt  }
0x4f: {  	_ =	shalt  }
0x50: {  	_ =	shalt  }
0x51: {  	_ =	shalt  }
0x52: {  	_ =	shalt  }
0x53: {  	_ =	shalt  }
0x54: {  	_ =	shalt  }
0x55: {  	_ =	shalt  }
0x56: {  	_ =	shalt  }
0x57: {  	_ =	shalt  }
0x58: {  	_ =	shalt  }
0x59: {  	_ =	shalt  }
0x5a: {  	_ =	shalt  }
0x5b: {  	_ =	shalt  }
0x5c: {  	_ =	shalt  }
0x5d: {  	_ =	shalt  }
0x5e: {  	_ =	shalt  }
0x5f: {  	_ =	shalt  }
0x60: {  	_ =	shalt  }
0x61: {  	_ =	shalt  }
0x62: {  	_ =	shalt  }
0x63: {  	_ =	shalt  }
0x64: {  	_ =	shalt  }
0x65: {  	_ =	shalt  }
0x66: {  	_ =	shalt  }
0x67: {  	_ =	shalt  }
0x68: {  	_ =	shalt  }
0x69: {  	_ =	shalt  }
0x6a: {  	_ =	shalt  }
0x6b: {  	_ =	shalt  }
0x6c: {  	_ =	shalt  }
0x6d: {  	_ =	shalt  }
0x6e: {  	_ =	shalt  }
0x6f: {  	_ =	shalt  }
0x70: {  	_ =	shalt  }
0x71: {  	_ =	shalt  }
0x72: {  	_ =	shalt  }
0x73: {  	_ =	shalt  }
0x74: {  	_ =	shalt  }
0x75: {  	_ =	shalt  }
0x76: {  	_ =	shalt  }
0x77: {  	_ =	shalt  }
0x78: {  	_ =	shalt  }
0x79: {  	_ =	shalt  }
0x7a: {  	_ =	shalt  }
0x7b: {  	_ =	shalt  }
0x7c: {  	_ =	shalt  }
0x7d: {  	_ =	shalt  }
0x7e: {  	_ =	shalt  }
0x7f: {  	_ =	shalt  }
0x80: {  	_ =	shalt  }
0x81: {  	_ =	shalt  }
0x82: {  	_ =	shalt  }
0x83: {  	_ =	shalt  }
0x84: {  	_ =	shalt  }
0x85: {  	_ =	shalt  }
0x86: {  	_ =	shalt  }
0x87: {  	_ =	shalt  }
.Lfunc_end0:
.L_simem_size_0:
called_computation.1_lowered:
.L_overlay_start_0:
0x88: {  	s2 =	sld [smem:$0x3FD9]  }
0x89: {  	s3 =	sld [smem:$0x3FFE];
	_ =	sdelay $0x1  }
0x8a: {  	s1 =	srdreg.scid  }
0x8b: {  	s0 =	sand.u32 $0x1, s1  }
0x8c: {  	s16 =	sshll.u32 s0, $0xA;
	s2 =	sadd.s32 s3, s2  }
0x8d: {  	s2 =	sadd.s32 s2, s16  }
0x8e: {  	[smem:$0x3FC3] =	sst s2  }
0x8f: {  	_ = 	snop  }
0x90: {  	(tm) =	ssettm $0x1  }
0x91: {  	s17 =	sld [smem:$0x3FFB];
	_ =	sdelay $0x3  }
0x92: {  	_ =	strace s17  }
0x93: {  	s2 =	sld [smem:$0x3FFC];
	_ =	sdelay $0x3  }
0x94: {  	_ =	strace s2  }
0x95: {  	s2 =	sld [smem:$0x3FFD];
	_ =	sdelay $0x3  }
0x96: {  	_ =	strace s2  }
0x97: {  	_ =	strace $0x8FFFFFFF  }
0x98: {  	s18 =	sld [smem:$0x3FDB];
	_ =	sdelay $0x1  }
0x99: {  	s19 =	simm.s32 $_scs_section_size  }
0x9a: {  	s4 =	simm.s32 $_size__tile_overlayer_lowered;
	s5 =	simm.s32 $_tile_overlayer_lowered  }
0x9b: {  	s22 =	simm.s32 $0x1BFF;
	s21 =	sshll.u32 s5, $0x1;
	s2 =	sadd.s32 s19, s18  }
0x9c: {  	s6 =	simm.s32 $0x0;
	s20 =	sshll.u32 s4, $0x1;
	s4 =	sadd.s32 s21, s2  }
0x9d: {  	[timem:s6], [sflag:s22] =	dma.local [hbm:s4], s20  }
0x9e: {  	_ =	swait.ge [sflag:s22], s20  }
0x9f: {  	s3 =	ssub.s32 $0x0, s20;
	[sflag:s22] =	ssyncset.done $0x0  }
0xa0: {  	[sflag:s22] =	ssyncadd.s32 s3;
	_ =	sdelay $0x1  }
0xa1: {  	s23 =	simm.s32 $0x1B8B  }
0xa2: {  	_ =	swait.ge [sflag:s23], $0x1  }
0xa3: {  	[sflag:s23] =	ssyncset.done $0x0  }
0xa4: {  	s25 =	simm.s32 $0x1B8E;
	s24 =	sld [smem:$0x3FFE];
	[sflag:s23] =	ssyncadd.s32 $0xFFFFFFFF  }
0xa5: {  	s26 =	simm.s32 $execute0_lowered;
	[smem:$0x3FD2] =	sst s25  }
0xa6: {  	s4 =	sshll.u32 s26, $0x1;
	_ =	strace $0x80000049;
	[dreg:$0x1] =	wrdreg $0xFFFFFFFF  }
0xa7: {  	s28 =	simm.s32 $_size_execute0_lowered;
	s2 =	sadd.s32 s2, s4;
	[dreg:$0x0] =	wrdreg $0x0  }
0xa8: {  	s4 =	sshll.u32 s28, $0x1;
	[dreg:$0x2] =	wrdreg s2  }
0xa9: {  	[dreg:$0x3] =	wrdreg s4  }
0xaa: {  	[dreg:$0x4] =	wrdreg $0xC0  }
0xab: {  	_ =	task [dreg:s6], $0x5FFFF  }
0xac: {  	[dreg:$0x1] =	wrdreg $0xFFFFFFFF  }
0xad: {  	[dreg:$0x0] =	wrdreg $0x60  }
0xae: {  	[dreg:$0x2] =	wrdreg s24  }
0xaf: {  	[dreg:$0x3] =	wrdreg $0x9  }
0xb0: {  	_ =	task.clear_ibuf [dreg:s6], $0x4FFFF;
	_ =	strace $0x90000049  }
0xb1: {  	s29 =	simm.s32 $0x9;
	_ =	strace $0x8000004B  }
0xb2: {  	_ =	swait.ge [sflag:s29], $0x1  }
0xb3: {  	[sflag:s29] =	ssyncadd.s32 $0xFFFFFFFF  }
0xb4: {  	_ =	strace $0x9000004B  }
0xb5: {  	_ =	sfence  }
0xb6: {  	s30 =	sld [smem:$0x0];
	_ =	sdelay $0x2  }
0xb7: {  	s31 =	sshll.u32 s1, $0xD;
	s1 =	sshrl.u32 s1, $0x2  }
0xb8: {  	s3 =	sand.u32 $0x4000, s31;
	s1 =	sadd.s32 s1, s30  }
0xb9: {  	s0 =	sor.u32 s3, s0;
	s1 =	sshll.u32 s1, $0x11  }
0xba: {  	s0 =	sor.u32 s1, s0  }
0xbb: {  	s0 =	sadd.s32 $0x8F2B, s0  }
0xbc: {  	[sflag:s0] =	ssyncadd.remote.s32 $0x1  }
0xbd: {  	_ =	sfence.sel $0xFFFF  }
0xbe: {  	[dreg:$0x0] =	wrdreg $0xFFFFFFFF;
	(pc) =	sbr.abs _section_cstart, $3  }
0xbf: {  	[dreg:$0x1] =	wrdreg $0xFFFFFFFF  }
0xc0: {  	_ =	task.clear_ibuf [dreg:s6], $0x2FFFF;
	_ =	strace $0x9FFFFFFF  }
0xc1: {  	(tm) =	ssettm $0x7FFFFFFF  }
tec
execute0_lowered:
.L_overlay_start_1:
0x0: {  	(tag) =	ssettag $0x1  }
0x1: {  	s0 =	rddreg [dreg:$0x0];
	s2 =	simm.s32 $0x0  }
0x2: {  	s1 =	srdreg.scid;
	s7 =	stileid.u32;
	s5 =	simm.s32 $0x1  }
0x3: {  	s18 =	simm.s32 $0x80;
	s14 =	simm.s32 $0x4680;
	s15 =	simm.s32 $0x3E80  }
0x4: {  	s16 =	simm.s32 $0x4E80;
	s17 =	simm.s32 $0x3700;
	s19 =	simm.s32 $0x4700  }
0x5: {  	s20 =	simm.s32 $0x3F00;
	s21 =	simm.s32 $0x4F00;
	s22 =	simm.s32 $0x3780  }
0x6: {  	s23 =	simm.s32 $0x4780;
	s24 =	simm.s32 $0x3F80;
	s25 =	simm.s32 $0x4F80  }
0x7: {  	s26 =	simm.s32 $0x2;
	s29 =	simm.s32 $0x3;
	s30 =	simm.s32 $0x0  }
0x8: {  	[smem:$0x7FF] =	sst s2;
	s1 =	sand.u32 $0x1, s1;
	s3 =	sshll.u32 s7, $0x1  }
0x9: {  	_ =	strace $0x8000004A;
	s4 =	sor.u32 s1, s3;
	p1 =	seq.s32 s1, $0x1  }
0xa: {  	s1 =	ssub.s32 $0x2, s1;
	s3 =	sshll.u32 s4, $0x8;
	p0 =	seq.s32 s4, $0x0  }
0xb: {  	s4 =	sshll.u32 s4, $0x4;
	s6 =	sshrl.u32 s1, $0x1;
	s10 =	sadd.s32 s3, s0  }
0xc: {  	s3 =	sadd.s32 $0x1000, s0;
	p0 =	por !p0, !p1;
	s0 =	sadd.s32 s4, s0  }
0xd: {  	s1 =	ssub.s32 s1, s6;
	s4 =	simm.s32 $0x1;
	p0 =	por !p0, !p0  }
0xe: {  	s6 =	sadd.s32 $0x109000, s10;
	s8 =	sadd.s32 $0x105000, s10;
	s5 =	simm.s32 @!p0 $0x0  }
0xf: {  	s9 =	sadd.s32 $0x101000, s10;
	s11 =	sadd.s32 $0x10D000, s0;
	s5 =	ssub.s32 s7, s5  }
0x10: {  	s12 =	smax.u32 s1, $0x1;
	s7 =	sadd.s32 $0x107000, s10;
	s28 =	sshll.u32 s5, $0x13  }
0x11: {  	s5 =	sadd.s32 $0x10B000, s10;
	s10 =	sadd.s32 $0x103000, s10;
	v0 =	vmov s28;
	s28 =	simm.s32 $0x5000  }
.LBB2_1:
0x12: {  	[tilespmem:s2], [sflag:$0x1] =	stream.linear.gather [hbm4b:s5+s2], $0x800, $0x38;
	[tilespmem:$0x5080] =	vst v63  }
0x13: {  	s0 =	simm.s32 $0x800  }
0x14: {  	[tilespmem:s0], [sflag:$0x1] =	stream.linear.gather [hbm4b:s6+s2], $0x800, $0x38;
	[tilespmem:$0x5080] =	vst v63  }
0x15: {  	s1 =	simm.s32 $0x1000  }
0x16: {  	[tilespmem:s1], [sflag:$0x1] =	stream.linear.gather [hbm4b:s7+s2], $0x800, $0x38;
	[tilespmem:$0x5080] =	vst v63  }
0x17: {  	s13 =	simm.s32 $0x1800  }
0x18: {  	[tilespmem:s13], [sflag:$0x1] =	stream.linear.gather [hbm4b:s8+s2], $0x800, $0x38;
	[tilespmem:$0x5080] =	vst v63  }
0x19: {  	s1 =	simm.s32 $0x2000  }
0x1a: {  	[tilespmem:s1], [sflag:$0x1] =	stream.linear.gather [hbm4b:s9+s2], $0x800, $0x38;
	[tilespmem:$0x5080] =	vst v63  }
0x1b: {  	s13 =	simm.s32 $0x2800  }
0x1c: {  	[tilespmem:s13], [sflag:$0x1] =	stream.linear.gather [hbm4b:s10+s2], $0x800, $0x38;
	[tilespmem:$0x5080] =	vst v63  }
0x1d: {  	_ =	swait.ge [sflag:s4], $0x800  }
0x1e: {  	[sflag:s4] =	ssyncset.done $0x0  }
0x1f: {  	[sflag:s4] =	ssyncadd.s32 $0xFFFFF800  }
0x20: {  	_ =	swait.ge [sflag:s4], $0x800  }
0x21: {  	[sflag:s4] =	ssyncset.done $0x0  }
0x22: {  	s31 =	simm.s32 $0x0;
	[sflag:s4] =	ssyncadd.s32 $0xFFFFF800  }
0x23: {  	v1 =	vld [tilespmem:s31+$0x0];
	_ =	sdelay $0x2  }
0x24: {  	v2 =	vld [tilespmem:s31+$0x800];
	_ =	sdelay $0x1  }
0x25: {  	vm0 =	vgt.s32 v1, $0x0  }
0x26: {  	v1 =	vnsel vm0, $0x0, v1  }
0x27: {  	s0 =	simm.s32 $0x10;
	v1 =	vmin.u32 v1, $0x1FF  }
0x28: {  	vm15 =	vgt.s32 v2, $0x0;
	v3 =	vshll.u32 v1, $0x9;
	v1 =	vld [tilespmem:s0+$0x0]  }
0x29: {  	v2 =	vnsel vm15, $0x0, v2  }
0x2a: {  	v4 =	vmin.u32 v2, $0x1FF;
	v2 =	vld [tilespmem:s0+$0x800]  }
0x2b: {  	v3 =	vor.u32 v0, v3  }
0x2c: {  	s1 =	simm.s32 $0x80;
	v3 =	vor.u32 v4, v3  }
.LBB2_2:
0x2d: {  	s13 =	sshra.s32 s1, $0x2;
	p0 =	sne.s32 s1, $0x1FC0;
	s1 =	sadd.s32 $0x40, s1;
	vm0 =	vgt.s32 v1, $0x0;
	[tilespmem:s31+$0x3000] =	vst v3;
	v3 =	vor.u32 $0x40000, v3  }
.Ltmp0:
0x2e: {  	v4 =	vnsel vm0, $0x0, v1;
	v1 =	vld [tilespmem:s13+$0x0];
	[tilespmem:s31+$0x3800] =	vst v3;
	s31 =	smov.u32 s0;
	s0 =	smov.u32 s13;
	(pc) =	sbr.rel @p0 .LBB2_2-.Ltmp0, $4  }
0x2f: {  	v3 =	vmin.u32 v4, $0x1FF;
	vm0 =	vgt.s32 v2, $0x0  }
0x30: {  	v4 =	vnsel vm0, $0x0, v2;
	v2 =	vld [tilespmem:s0+$0x800];
	v3 =	vshll.u32 v3, $0x9  }
0x31: {  	v4 =	vmin.u32 v4, $0x1FF;
	v3 =	vor.u32 v0, v3  }
0x32: {  	v3 =	vor.u32 v4, v3  }
0x33: {  	vm0 =	vgt.s32 v1, $0x0  }
0x34: {  	v1 =	vnsel vm0, $0x0, v1  }
0x35: {  	v1 =	vmin.u32 v1, $0x1FF;
	vm15 =	vgt.s32 v2, $0x0  }
0x36: {  	v2 =	vnsel vm15, $0x0, v2;
	v1 =	vshll.u32 v1, $0x9  }
0x37: {  	[tilespmem:s31+$0x3000] =	vst v3;
	v3 =	vor.u32 $0x40000, v3;
	v2 =	vmin.u32 v2, $0x1FF;
	v1 =	vor.u32 v0, v1  }
0x38: {  	[tilespmem:s31+$0x3800] =	vst v3;
	v1 =	vor.u32 v2, v1  }
0x39: {  	[tilespmem:s0+$0x3000] =	vst v1;
	v1 =	vor.u32 $0x40000, v1  }
0x3a: {  	s13 =	simm.s32 $0x3000;
	s1 =	simm.s32 $0x4000;
	[tilespmem:s0+$0x3800] =	vst v1  }
0x3b: {  	[tilespmem:s1], [sflag:$0x2] =	stream.indirect.gather [hbm4b:s3+s18], $0x1, s13, s18, $0xb8;
	[tilespmem:$0x5080] =	vst v63  }
0x3c: {  	s1 =	simm.s32 $0x3800;
	s13 =	simm.s32 $0x4800  }
0x3d: {  	[tilespmem:s13], [sflag:$0x2] =	stream.indirect.gather [hbm4b:s3+s18], $0x1, s1, s18, $0xb8;
	[tilespmem:$0x5080] =	vst v63  }
0x3e: {  	s1 =	simm.s32 $0x3080;
	s13 =	simm.s32 $0x4080  }
0x3f: {  	[tilespmem:s13], [sflag:$0x2] =	stream.indirect.gather [hbm4b:s3+s18], $0x1, s1, s18, $0xb8;
	[tilespmem:$0x5080] =	vst v63  }
0x40: {  	s1 =	simm.s32 $0x3880;
	s13 =	simm.s32 $0x4880  }
0x41: {  	[tilespmem:s13], [sflag:$0x2] =	stream.indirect.gather [hbm4b:s3+s18], $0x1, s1, s18, $0xb8;
	[tilespmem:$0x5080] =	vst v63  }
0x42: {  	s1 =	simm.s32 $0x3100;
	s13 =	simm.s32 $0x4100  }
0x43: {  	[tilespmem:s13], [sflag:$0x2] =	stream.indirect.gather [hbm4b:s3+s18], $0x1, s1, s18, $0xb8;
	[tilespmem:$0x5080] =	vst v63  }
0x44: {  	s1 =	simm.s32 $0x3900;
	s13 =	simm.s32 $0x4900  }
0x45: {  	[tilespmem:s13], [sflag:$0x2] =	stream.indirect.gather [hbm4b:s3+s18], $0x1, s1, s18, $0xb8;
	[tilespmem:$0x5080] =	vst v63  }
0x46: {  	s1 =	simm.s32 $0x3180;
	s13 =	simm.s32 $0x4180  }
0x47: {  	[tilespmem:s13], [sflag:$0x2] =	stream.indirect.gather [hbm4b:s3+s18], $0x1, s1, s18, $0xb8;
	[tilespmem:$0x5080] =	vst v63  }
0x48: {  	s1 =	simm.s32 $0x3980;
	s13 =	simm.s32 $0x4980  }
0x49: {  	[tilespmem:s13], [sflag:$0x2] =	stream.indirect.gather [hbm4b:s3+s18], $0x1, s1, s18, $0xb8;
	[tilespmem:$0x5080] =	vst v63  }
0x4a: {  	s1 =	simm.s32 $0x3200;
	s13 =	simm.s32 $0x4200  }
0x4b: {  	[tilespmem:s13], [sflag:$0x2] =	stream.indirect.gather [hbm4b:s3+s18], $0x1, s1, s18, $0xb8;
	[tilespmem:$0x5080] =	vst v63  }
0x4c: {  	s1 =	simm.s32 $0x3A00;
	s13 =	simm.s32 $0x4A00  }
0x4d: {  	[tilespmem:s13], [sflag:$0x2] =	stream.indirect.gather [hbm4b:s3+s18], $0x1, s1, s18, $0xb8;
	[tilespmem:$0x5080] =	vst v63  }
0x4e: {  	s1 =	simm.s32 $0x3280;
	s13 =	simm.s32 $0x4280  }
0x4f: {  	[tilespmem:s13], [sflag:$0x2] =	stream.indirect.gather [hbm4b:s3+s18], $0x1, s1, s18, $0xb8;
	[tilespmem:$0x5080] =	vst v63  }
0x50: {  	s1 =	simm.s32 $0x3A80;
	s13 =	simm.s32 $0x4A80  }
0x51: {  	[tilespmem:s13], [sflag:$0x2] =	stream.indirect.gather [hbm4b:s3+s18], $0x1, s1, s18, $0xb8;
	[tilespmem:$0x5080] =	vst v63  }
0x52: {  	s1 =	simm.s32 $0x3300;
	s13 =	simm.s32 $0x4300  }
0x53: {  	[tilespmem:s13], [sflag:$0x2] =	stream.indirect.gather [hbm4b:s3+s18], $0x1, s1, s18, $0xb8;
	[tilespmem:$0x5080] =	vst v63  }
0x54: {  	s1 =	simm.s32 $0x3B00;
	s13 =	simm.s32 $0x4B00  }
0x55: {  	[tilespmem:s13], [sflag:$0x2] =	stream.indirect.gather [hbm4b:s3+s18], $0x1, s1, s18, $0xb8;
	[tilespmem:$0x5080] =	vst v63  }
0x56: {  	s1 =	simm.s32 $0x3380;
	s13 =	simm.s32 $0x4380  }
0x57: {  	[tilespmem:s13], [sflag:$0x2] =	stream.indirect.gather [hbm4b:s3+s18], $0x1, s1, s18, $0xb8;
	[tilespmem:$0x5080] =	vst v63  }
0x58: {  	s1 =	simm.s32 $0x3B80;
	s13 =	simm.s32 $0x4B80  }
0x59: {  	[tilespmem:s13], [sflag:$0x2] =	stream.indirect.gather [hbm4b:s3+s18], $0x1, s1, s18, $0xb8;
	[tilespmem:$0x5080] =	vst v63  }
0x5a: {  	s1 =	simm.s32 $0x3400;
	s13 =	simm.s32 $0x4400  }
0x5b: {  	[tilespmem:s13], [sflag:$0x2] =	stream.indirect.gather [hbm4b:s3+s18], $0x1, s1, s18, $0xb8;
	[tilespmem:$0x5080] =	vst v63  }
0x5c: {  	s1 =	simm.s32 $0x3C00;
	s13 =	simm.s32 $0x4C00  }
0x5d: {  	[tilespmem:s13], [sflag:$0x2] =	stream.indirect.gather [hbm4b:s3+s18], $0x1, s1, s18, $0xb8;
	[tilespmem:$0x5080] =	vst v63  }
0x5e: {  	s1 =	simm.s32 $0x3480;
	s13 =	simm.s32 $0x4480  }
0x5f: {  	[tilespmem:s13], [sflag:$0x2] =	stream.indirect.gather [hbm4b:s3+s18], $0x1, s1, s18, $0xb8;
	[tilespmem:$0x5080] =	vst v63  }
0x60: {  	s1 =	simm.s32 $0x3C80;
	s13 =	simm.s32 $0x4C80  }
0x61: {  	[tilespmem:s13], [sflag:$0x2] =	stream.indirect.gather [hbm4b:s3+s18], $0x1, s1, s18, $0xb8;
	[tilespmem:$0x5080] =	vst v63  }
0x62: {  	s1 =	simm.s32 $0x3500;
	s13 =	simm.s32 $0x4500  }
0x63: {  	[tilespmem:s13], [sflag:$0x2] =	stream.indirect.gather [hbm4b:s3+s18], $0x1, s1, s18, $0xb8;
	[tilespmem:$0x5080] =	vst v63  }
0x64: {  	s1 =	simm.s32 $0x3D00;
	s13 =	simm.s32 $0x4D00  }
0x65: {  	[tilespmem:s13], [sflag:$0x2] =	stream.indirect.gather [hbm4b:s3+s18], $0x1, s1, s18, $0xb8;
	[tilespmem:$0x5080] =	vst v63  }
0x66: {  	s1 =	simm.s32 $0x3580;
	s13 =	simm.s32 $0x4580  }
0x67: {  	[tilespmem:s13], [sflag:$0x2] =	stream.indirect.gather [hbm4b:s3+s18], $0x1, s1, s18, $0xb8;
	[tilespmem:$0x5080] =	vst v63  }
0x68: {  	s1 =	simm.s32 $0x3D80;
	s13 =	simm.s32 $0x4D80  }
0x69: {  	[tilespmem:s13], [sflag:$0x2] =	stream.indirect.gather [hbm4b:s3+s18], $0x1, s1, s18, $0xb8;
	[tilespmem:$0x5080] =	vst v63  }
0x6a: {  	s1 =	simm.s32 $0x3600;
	s13 =	simm.s32 $0x4600  }
0x6b: {  	[tilespmem:s13], [sflag:$0x2] =	stream.indirect.gather [hbm4b:s3+s18], $0x1, s1, s18, $0xb8;
	[tilespmem:$0x5080] =	vst v63  }
0x6c: {  	s1 =	simm.s32 $0x3E00;
	s13 =	simm.s32 $0x4E00  }
0x6d: {  	[tilespmem:s13], [sflag:$0x2] =	stream.indirect.gather [hbm4b:s3+s18], $0x1, s1, s18, $0xb8;
	[tilespmem:$0x5080] =	vst v63  }
0x6e: {  	s13 =	simm.s32 $0x3680  }
0x6f: {  	[tilespmem:s14], [sflag:$0x2] =	stream.indirect.gather [hbm4b:s3+s18], $0x1, s13, s18, $0xb8;
	[tilespmem:$0x5080] =	vst v63  }
0x70: {  	_ = 	snop  }
0x71: {  	[tilespmem:s16], [sflag:$0x2] =	stream.indirect.gather [hbm4b:s3+s18], $0x1, s15, s18, $0xb8;
	[tilespmem:$0x5080] =	vst v63  }
0x72: {  	_ = 	snop  }
0x73: {  	[tilespmem:s19], [sflag:$0x2] =	stream.indirect.gather [hbm4b:s3+s18], $0x1, s17, s18, $0xb8;
	[tilespmem:$0x5080] =	vst v63  }
0x74: {  	_ = 	snop  }
0x75: {  	[tilespmem:s21], [sflag:$0x2] =	stream.indirect.gather [hbm4b:s3+s18], $0x1, s20, s18, $0xb8;
	[tilespmem:$0x5080] =	vst v63  }
0x76: {  	_ = 	snop  }
0x77: {  	[tilespmem:s23], [sflag:$0x2] =	stream.indirect.gather [hbm4b:s3+s18], $0x1, s22, s18, $0xb8;
	[tilespmem:$0x5080] =	vst v63  }
0x78: {  	_ = 	snop  }
0x79: {  	[tilespmem:s25], [sflag:$0x2] =	stream.indirect.gather [hbm4b:s3+s18], $0x1, s24, s18, $0xb8;
	[tilespmem:$0x5080] =	vst v63  }
0x7a: {  	_ =	swait.ge [sflag:s4], $0x800  }
0x7b: {  	[sflag:s4] =	ssyncset.done $0x0  }
0x7c: {  	[sflag:s4] =	ssyncadd.s32 $0xFFFFF800  }
0x7d: {  	_ =	swait.ge [sflag:s4], $0x800  }
0x7e: {  	[sflag:s4] =	ssyncset.done $0x0  }
0x7f: {  	[sflag:s4] =	ssyncadd.s32 $0xFFFFF800  }
0x80: {  	_ =	swait.ge [sflag:s4], $0x800  }
0x81: {  	[sflag:s4] =	ssyncset.done $0x0  }
0x82: {  	[sflag:s4] =	ssyncadd.s32 $0xFFFFF800  }
0x83: {  	_ =	swait.ge [sflag:s4], $0x800  }
0x84: {  	[sflag:s4] =	ssyncset.done $0x0  }
0x85: {  	[sflag:s4] =	ssyncadd.s32 $0xFFFFF800  }
0x86: {  	_ =	swait.ge [sflag:s26], $0x80  }
0x87: {  	[sflag:s26] =	ssyncset.done $0x0  }
0x88: {  	[sflag:s26] =	ssyncadd.s32 $0xFFFFFF80  }
0x89: {  	_ =	swait.ge [sflag:s26], $0x80  }
0x8a: {  	[sflag:s26] =	ssyncset.done $0x0  }
0x8b: {  	[sflag:s26] =	ssyncadd.s32 $0xFFFFFF80  }
0x8c: {  	_ =	swait.ge [sflag:s26], $0x80  }
0x8d: {  	[sflag:s26] =	ssyncset.done $0x0  }
0x8e: {  	[sflag:s26] =	ssyncadd.s32 $0xFFFFFF80  }
0x8f: {  	_ =	swait.ge [sflag:s26], $0x80  }
0x90: {  	[sflag:s26] =	ssyncset.done $0x0  }
0x91: {  	[sflag:s26] =	ssyncadd.s32 $0xFFFFFF80  }
0x92: {  	_ =	swait.ge [sflag:s26], $0x80  }
0x93: {  	[sflag:s26] =	ssyncset.done $0x0  }
0x94: {  	[sflag:s26] =	ssyncadd.s32 $0xFFFFFF80  }
0x95: {  	_ =	swait.ge [sflag:s26], $0x80  }
0x96: {  	[sflag:s26] =	ssyncset.done $0x0  }
0x97: {  	[sflag:s26] =	ssyncadd.s32 $0xFFFFFF80  }
0x98: {  	_ =	swait.ge [sflag:s26], $0x80  }
0x99: {  	[sflag:s26] =	ssyncset.done $0x0  }
0x9a: {  	[sflag:s26] =	ssyncadd.s32 $0xFFFFFF80  }
0x9b: {  	_ =	swait.ge [sflag:s26], $0x80  }
0x9c: {  	[sflag:s26] =	ssyncset.done $0x0  }
0x9d: {  	[sflag:s26] =	ssyncadd.s32 $0xFFFFFF80  }
0x9e: {  	_ =	swait.ge [sflag:s26], $0x80  }
0x9f: {  	[sflag:s26] =	ssyncset.done $0x0  }
0xa0: {  	[sflag:s26] =	ssyncadd.s32 $0xFFFFFF80  }
0xa1: {  	_ =	swait.ge [sflag:s26], $0x80  }
0xa2: {  	[sflag:s26] =	ssyncset.done $0x0  }
0xa3: {  	[sflag:s26] =	ssyncadd.s32 $0xFFFFFF80  }
0xa4: {  	_ =	swait.ge [sflag:s26], $0x80  }
0xa5: {  	[sflag:s26] =	ssyncset.done $0x0  }
0xa6: {  	[sflag:s26] =	ssyncadd.s32 $0xFFFFFF80  }
0xa7: {  	_ =	swait.ge [sflag:s26], $0x80  }
0xa8: {  	[sflag:s26] =	ssyncset.done $0x0  }
0xa9: {  	[sflag:s26] =	ssyncadd.s32 $0xFFFFFF80  }
0xaa: {  	_ =	swait.ge [sflag:s26], $0x80  }
0xab: {  	[sflag:s26] =	ssyncset.done $0x0  }
0xac: {  	[sflag:s26] =	ssyncadd.s32 $0xFFFFFF80  }
0xad: {  	_ =	swait.ge [sflag:s26], $0x80  }
0xae: {  	[sflag:s26] =	ssyncset.done $0x0  }
0xaf: {  	[sflag:s26] =	ssyncadd.s32 $0xFFFFFF80  }
0xb0: {  	_ =	swait.ge [sflag:s26], $0x80  }
0xb1: {  	[sflag:s26] =	ssyncset.done $0x0  }
0xb2: {  	[sflag:s26] =	ssyncadd.s32 $0xFFFFFF80  }
0xb3: {  	_ =	swait.ge [sflag:s26], $0x80  }
0xb4: {  	[sflag:s26] =	ssyncset.done $0x0  }
0xb5: {  	[sflag:s26] =	ssyncadd.s32 $0xFFFFFF80  }
0xb6: {  	_ =	swait.ge [sflag:s26], $0x80  }
0xb7: {  	[sflag:s26] =	ssyncset.done $0x0  }
0xb8: {  	[sflag:s26] =	ssyncadd.s32 $0xFFFFFF80  }
0xb9: {  	_ =	swait.ge [sflag:s26], $0x80  }
0xba: {  	[sflag:s26] =	ssyncset.done $0x0  }
0xbb: {  	[sflag:s26] =	ssyncadd.s32 $0xFFFFFF80  }
0xbc: {  	_ =	swait.ge [sflag:s26], $0x80  }
0xbd: {  	[sflag:s26] =	ssyncset.done $0x0  }
0xbe: {  	[sflag:s26] =	ssyncadd.s32 $0xFFFFFF80  }
0xbf: {  	_ =	swait.ge [sflag:s26], $0x80  }
0xc0: {  	[sflag:s26] =	ssyncset.done $0x0  }
0xc1: {  	[sflag:s26] =	ssyncadd.s32 $0xFFFFFF80  }
0xc2: {  	_ =	swait.ge [sflag:s26], $0x80  }
0xc3: {  	[sflag:s26] =	ssyncset.done $0x0  }
0xc4: {  	[sflag:s26] =	ssyncadd.s32 $0xFFFFFF80  }
0xc5: {  	_ =	swait.ge [sflag:s26], $0x80  }
0xc6: {  	[sflag:s26] =	ssyncset.done $0x0  }
0xc7: {  	[sflag:s26] =	ssyncadd.s32 $0xFFFFFF80  }
0xc8: {  	_ =	swait.ge [sflag:s26], $0x80  }
0xc9: {  	[sflag:s26] =	ssyncset.done $0x0  }
0xca: {  	[sflag:s26] =	ssyncadd.s32 $0xFFFFFF80  }
0xcb: {  	_ =	swait.ge [sflag:s26], $0x80  }
0xcc: {  	[sflag:s26] =	ssyncset.done $0x0  }
0xcd: {  	[sflag:s26] =	ssyncadd.s32 $0xFFFFFF80  }
0xce: {  	_ =	swait.ge [sflag:s26], $0x80  }
0xcf: {  	[sflag:s26] =	ssyncset.done $0x0  }
0xd0: {  	[sflag:s26] =	ssyncadd.s32 $0xFFFFFF80  }
0xd1: {  	_ =	swait.ge [sflag:s26], $0x80  }
0xd2: {  	[sflag:s26] =	ssyncset.done $0x0  }
0xd3: {  	[sflag:s26] =	ssyncadd.s32 $0xFFFFFF80  }
0xd4: {  	_ =	swait.ge [sflag:s26], $0x80  }
0xd5: {  	[sflag:s26] =	ssyncset.done $0x0  }
0xd6: {  	[sflag:s26] =	ssyncadd.s32 $0xFFFFFF80  }
0xd7: {  	_ =	swait.ge [sflag:s26], $0x80  }
0xd8: {  	[sflag:s26] =	ssyncset.done $0x0  }
0xd9: {  	[sflag:s26] =	ssyncadd.s32 $0xFFFFFF80  }
0xda: {  	_ =	swait.ge [sflag:s26], $0x80  }
0xdb: {  	[sflag:s26] =	ssyncset.done $0x0  }
0xdc: {  	[sflag:s26] =	ssyncadd.s32 $0xFFFFFF80  }
0xdd: {  	_ =	swait.ge [sflag:s26], $0x80  }
0xde: {  	[sflag:s26] =	ssyncset.done $0x0  }
0xdf: {  	[sflag:s26] =	ssyncadd.s32 $0xFFFFFF80  }
0xe0: {  	_ =	swait.ge [sflag:s26], $0x80  }
0xe1: {  	[sflag:s26] =	ssyncset.done $0x0  }
0xe2: {  	[sflag:s26] =	ssyncadd.s32 $0xFFFFFF80  }
0xe3: {  	_ =	swait.ge [sflag:s26], $0x80  }
0xe4: {  	[sflag:s26] =	ssyncset.done $0x0  }
0xe5: {  	s1 =	simm.s32 $0x0;
	[sflag:s26] =	ssyncadd.s32 $0xFFFFFF80  }
0xe6: {  	v1 =	vld [tilespmem:s1+$0x0]  }
0xe7: {  	v2 =	vld [tilespmem:s1+$0x800]  }
0xe8: {  	v3 =	vld [tilespmem:s1+$0x4000]  }
0xe9: {  	v4 =	vld [tilespmem:s1+$0x4800]  }
0xea: {  	v5 =	vld [tilespmem:s1+$0x1000]  }
0xeb: {  	v6 =	vld [tilespmem:s1+$0x1800]  }
0xec: {  	v7 =	vld [tilespmem:s1+$0x2000];
	v1 =	vcvt.s32.f32 v1;
	v2 =	vcvt.s32.f32 v2  }
0xed: {  	s13 =	simm.s32 $0x10;
	v8 =	vld [tilespmem:s1+$0x2800]  }
0xee: {  	v1 =	vadd.f32 v1, v3;
	v3 =	vld [tilespmem:s13+$0x0];
	v2 =	vadd.f32 v2, v4  }
0xef: {  	v9 =	vld [tilespmem:s13+$0x800]  }
0xf0: {  	v10 =	vld [tilespmem:s13+$0x4000];
	v1 =	vsub.f32 v1, v5;
	v4 =	vsub.f32 v2, v6  }
0xf1: {  	v6 =	vld [tilespmem:s13+$0x4800]  }
0xf2: {  	v2 =	vld [tilespmem:s13+$0x1000];
	v5 =	vmul.u32 v7, v8;
	v1 =	vmul.f32 v1, v1;
	v7 =	vmul.f32 v4, v4  }
0xf3: {  	v4 =	vld [tilespmem:s13+$0x1800];
	v8 =	vcvt.s32.f32 v3  }
0xf4: {  	v9 =	vcvt.s32.f32 v9;
	v11 =	vcvt.s32.f32 v5;
	v5 =	vld [tilespmem:s13+$0x2800];
	v12 =	vadd.f32 v7, v1  }
0xf5: {  	s31 =	simm.s32 $0x20;
	v3 =	vld [tilespmem:s13+$0x2000];
	v8 =	vadd.f32 v8, v10  }
0xf6: {  	s0 =	simm.s32 $0xC0;
	v1 =	vimm.f32 $0.0e+00;
	v7 =	vld [tilespmem:s31+$0x0];
	v9 =	vadd.f32 v9, v6;
	v6 =	vmul.f32 v11, v12  }
.LBB2_4:
0xf7: {  	p0 =	sne.s32 s0, $0x1FC0;
	v10 =	vld [tilespmem:s31+$0x800];
	v8 =	vsub.f32 v8, v2  }
0xf8: {  	v11 =	vld [tilespmem:s31+$0x4000];
	v4 =	vsub.f32 v9, v4;
	v1 =	vadd.f32 v6, v1  }
0xf9: {  	v6 =	vld [tilespmem:s31+$0x4800]  }
.Ltmp1:
0xfa: {  	v8 =	vmul.f32 v8, v8;
	v2 =	vld [tilespmem:s31+$0x1000];
	v5 =	vmul.u32 v3, v5;
	v9 =	vmul.f32 v4, v4;
	(pc) =	sbr.rel @p0 .LBB2_4-.Ltmp1, $4  }
0xfb: {  	v7 =	vcvt.s32.f32 v7;
	v4 =	vld [tilespmem:s31+$0x1800]  }
0xfc: {  	v10 =	vcvt.s32.f32 v10;
	v3 =	vld [tilespmem:s31+$0x2000];
	v12 =	vcvt.s32.f32 v5;
	v13 =	vadd.f32 v9, v8  }
0xfd: {  	v5 =	vld [tilespmem:s31+$0x2800];
	s31 =	sshra.s32 s0, $0x2;
	v8 =	vadd.f32 v7, v11  }
0xfe: {  	s0 =	sadd.s32 $0x40, s0;
	v7 =	vld [tilespmem:s31+$0x0];
	v9 =	vadd.f32 v10, v6;
	v6 =	vmul.f32 v12, v13  }
0xff: {  	v10 =	vld [tilespmem:s31+$0x800]  }
0x100: {  	v11 =	vld [tilespmem:s31+$0x4000]  }
0x101: {  	v12 =	vld [tilespmem:s31+$0x4800]  }
0x102: {  	v13 =	vld [tilespmem:s31+$0x1000]  }
0x103: {  	v14 =	vld [tilespmem:s31+$0x1800]  }
0x104: {  	v15 =	vld [tilespmem:s31+$0x2000];
	v7 =	vcvt.s32.f32 v7;
	v10 =	vcvt.s32.f32 v10  }
0x105: {  	v2 =	vsub.f32 v8, v2;
	v58 =	vld [tilespmem:s31+$0x2800];
	v4 =	vsub.f32 v9, v4  }
0x106: {  	v7 =	vadd.f32 v7, v11;
	v59 =	vadd.f32 v10, v12  }
0x107: {  	v2 =	vmul.f32 v2, v2;
	v3 =	vmul.u32 v3, v5;
	v4 =	vmul.f32 v4, v4  }
0x108: {  	v60 =	vsub.f32 v7, v13;
	v61 =	vsub.f32 v59, v14  }
0x109: {  	v3 =	vcvt.s32.f32 v3;
	v2 =	vadd.f32 v4, v2  }
0x10a: {  	v62 =	vmul.u32 v15, v58;
	v5 =	vmul.f32 v60, v60;
	v7 =	vmul.f32 v61, v61  }
0x10b: {  	v1 =	vadd.f32 v6, v1  }
0x10c: {  	v2 =	vmul.f32 v3, v2;
	v3 =	vcvt.s32.f32 v62;
	v63 =	vadd.f32 v7, v5;
	_ =	sdelay $0x1  }
0x10d: {  	v1 =	vadd.f32 v2, v1;
	v2 =	vmul.f32 v3, v63;
	_ =	sdelay $0x1  }
0x10e: {  	s30 =	sadd.s32 $0x1, s30;
	v1 =	vadd.f32 v2, v1  }
0x10f: {  	p0 =	sne.s32 s30, s12  }
.Ltmp2:
0x110: {  	[tilespmem:$0x5000] =	vst v1;
	(pc) =	sbr.rel @p0 .LBB2_1-.Ltmp2, $4  }
0x111: {  	[hbm4b:s11+s2] =	stream.linear.scatter [tilespmem:s28], [sflag:$0x3], $0x80, $0x38;
	[tilespmem:$0x5080] =	vst v63  }
0x112: {  	_ =	swait.ge [sflag:s29], $0x80  }
0x113: {  	[sflag:s29] =	ssyncset.done $0x0  }
0x114: {  	[sflag:s29] =	ssyncadd.s32 $0xFFFFFF80  }
0x115: {  	_ =	sfence.sel $0x180000  }
0x116: {  	[bflag:$0x0] =	sbarrier.arrive $0xFFFF  }
0x117: {  	_ =	strace $0x9000004A  }
0x118: {  	s0 =	stileid.u32;
	[bflag:$0x2] =	sbarrier.arrive $0xFFFF  }
0x119: {  	p0 =	sne.s32 s0, $0x0;
	s0 =	rddreg [dreg:$0x1]  }
0x11a: {  	s0 =	sadd.s32 @!p0 $0x100000, s0  }
0x11b: {  	[sflag:s0] =	ssyncadd.tile.s32 @!p0 $0x1;
	_ =	shalt  }
.Lfunc_end2:
_tile_overlayer_lowered:
.L_overlay_start_2:
0x11c: {  	(tag) =	ssettag $0x2  }
0x11d: {  	s0 =	rddreg [dreg:$0x0];
	s2 =	stileid.u32  }
0x11e: {  	s1 =	rddreg [dreg:$0x1];
	p0 =	sne.s32 s2, $0x0  }
0x11f: {  	s3 =	rddreg [dreg:$0x2];
	[bflag:$0x3] =	sbarrier.arrive $0xFFFF;
	s2 =	simm.s32 @!p0 $0x1C03  }
0x120: {  	[timem:s3], [sflag:s2] =	dma.local @!p0 [hbm:s0], s1  }
0x121: {  	s0 =	simm.s32 @!p0 $0x3  }
0x122: {  	_ =	swait.ge @!p0 [sflag:s0], s1  }
0x123: {  	s1 =	ssub.s32 @!p0 $0x0, s1;
	[sflag:s0] =	ssyncset.done @!p0 $0x0  }
0x124: {  	[sflag:s0] =	ssyncadd.s32 @!p0 s1  }
0x125: {  	[bflag:$0x3] =	sbarrier.arrive $0xFFFF  }
0x126: {  	_ =	shalt  }

// kernel: sparse-core-data-format-call.cloned.1.call-start
scs
called_computation_lowered:
.L_overlay_start_0:
0x0: {  	s2 =	sld [smem:$0x3FD9]  }
0x1: {  	s3 =	sld [smem:$0x3FFE];
	_ =	sdelay $0x1  }
0x2: {  	s1 =	srdreg.scid  }
0x3: {  	s0 =	sand.u32 $0x1, s1  }
0x4: {  	s18 =	sshll.u32 s0, $0xA;
	s2 =	sadd.s32 s3, s2  }
0x5: {  	s2 =	sadd.s32 s2, s18  }
0x6: {  	[smem:$0x3FC3] =	sst s2  }
0x7: {  	_ = 	snop  }
0x8: {  	s2 =	sld [smem:$0x3FC5];
	(tm) =	ssettm $0x1  }
0x9: {  	s19 =	sld [smem:$0x3FFB];
	_ =	sdelay $0x3  }
0xa: {  	_ =	strace s19  }
0xb: {  	s3 =	sld [smem:$0x3FFC];
	_ =	sdelay $0x3  }
0xc: {  	_ =	strace s3  }
0xd: {  	s3 =	sld [smem:$0x3FFD];
	_ =	sdelay $0x3  }
0xe: {  	_ =	strace s3  }
0xf: {  	_ =	strace $0x8FFFFFFF  }
0x10: {  	s20 =	sld [smem:$0x3FDB];
	_ =	sdelay $0x1  }
0x11: {  	s4 =	simm.s32 $_scs_section_size  }
0x12: {  	s5 =	simm.s32 $_size__tile_overlayer_lowered;
	s6 =	simm.s32 $_tile_overlayer_lowered  }
0x13: {  	s23 =	simm.s32 $0x1BFF;
	s22 =	sshll.u32 s6, $0x1;
	s3 =	sadd.s32 s4, s20  }
0x14: {  	s7 =	simm.s32 $0x0;
	s21 =	sshll.u32 s5, $0x1;
	s5 =	sadd.s32 s22, s3  }
0x15: {  	[timem:s7], [sflag:s23] =	dma.local [hbm:s5], s21  }
0x16: {  	_ =	swait.ge [sflag:s23], s21  }
0x17: {  	s4 =	ssub.s32 $0x0, s21;
	[sflag:s23] =	ssyncset.done $0x0  }
0x18: {  	[sflag:s23] =	ssyncadd.s32 s4;
	_ =	sdelay $0x1  }
0x19: {  	s24 =	simm.s32 $0x1B8B  }
0x1a: {  	_ =	swait.ge [sflag:s24], $0x1  }
0x1b: {  	[sflag:s24] =	ssyncset.done $0x0  }
0x1c: {  	s26 =	simm.s32 $0x1B8E;
	s25 =	sld [smem:$0x3FFE];
	[sflag:s24] =	ssyncadd.s32 $0xFFFFFFFF  }
0x1d: {  	s27 =	simm.s32 $execute0_lowered;
	[smem:$0x3FD2] =	sst s26  }
0x1e: {  	s5 =	sshll.u32 s27, $0x1;
	_ =	strace $0x80000046;
	[dreg:$0x1] =	wrdreg $0xFFFFFFFF  }
0x1f: {  	s28 =	simm.s32 $_size_execute0_lowered;
	s3 =	sadd.s32 s3, s5;
	[dreg:$0x0] =	wrdreg $0x0  }
0x20: {  	s5 =	sshll.u32 s28, $0x1;
	[dreg:$0x2] =	wrdreg s3  }
0x21: {  	[dreg:$0x3] =	wrdreg s5  }
0x22: {  	[dreg:$0x4] =	wrdreg $0xC0  }
0x23: {  	_ =	task [dreg:s7], $0x5FFFF  }
0x24: {  	[dreg:$0x1] =	wrdreg $0xFFFFFFFF  }
0x25: {  	[dreg:$0x0] =	wrdreg $0x60  }
0x26: {  	[dreg:$0x2] =	wrdreg s2  }
0x27: {  	[dreg:$0x3] =	wrdreg s25  }
0x28: {  	[dreg:$0x4] =	wrdreg $0x9  }
0x29: {  	_ =	task.clear_ibuf [dreg:s7], $0x5FFFF;
	_ =	strace $0x90000046  }
0x2a: {  	s29 =	simm.s32 $0x9;
	_ =	strace $0x80000048  }
0x2b: {  	_ =	swait.ge [sflag:s29], $0x1  }
0x2c: {  	[sflag:s29] =	ssyncadd.s32 $0xFFFFFFFF  }
0x2d: {  	_ =	strace $0x90000048  }
0x2e: {  	_ =	sfence  }
0x2f: {  	s30 =	sld [smem:$0x0];
	_ =	sdelay $0x2  }
0x30: {  	s31 =	sshll.u32 s1, $0xD;
	s1 =	sshrl.u32 s1, $0x2  }
0x31: {  	s3 =	sand.u32 $0x4000, s31;
	s1 =	sadd.s32 s1, s30  }
0x32: {  	s0 =	sor.u32 s3, s0;
	s1 =	sshll.u32 s1, $0x11  }
0x33: {  	s0 =	sor.u32 s1, s0  }
0x34: {  	s0 =	sadd.s32 $0x8F2B, s0  }
0x35: {  	[sflag:s0] =	ssyncadd.remote.s32 $0x1  }
0x36: {  	_ =	sfence.sel $0xFFFF  }
0x37: {  	[dreg:$0x0] =	wrdreg $0xFFFFFFFF;
	(pc) =	sbr.abs _section_cstart, $3  }
0x38: {  	[dreg:$0x1] =	wrdreg $0xFFFFFFFF  }
0x39: {  	_ =	task.clear_ibuf [dreg:s7], $0x2FFFF;
	_ =	strace $0x9FFFFFFF  }
0x3a: {  	(tm) =	ssettm $0x7FFFFFFF  }
0x3b: {  	_ =	shalt  }
tec
execute0_lowered:
.L_overlay_start_1:
0x0: {  	(tag) =	ssettag $0x1  }
0x1: {  	s0 =	srdreg.scid  }
0x2: {  	s1 =	sshll.u32 s0, $0x4  }
0x3: {  	s2 =	rddreg [dreg:$0x0];
	s0 =	stileid.u32;
	s1 =	sand.u32 $0x10, s1  }
0x4: {  	s4 =	rddreg [dreg:$0x1];
	s7 =	simm.s32 $0x1;
	s1 =	sor.u32 s0, s1  }
0x5: {  	s8 =	simm.s32 $0x2;
	s9 =	simm.s32 $0x0;
	s3 =	sshll.u32 s1, $0x2  }
0x6: {  	s12 =	simm.s32 $0x0;
	s11 =	simm.s32 $0x0;
	s6 =	ssub.s32 $0x800, s3  }
.Ltmp0:
0x7: {  	s4 =	sadd.s32 $0x1000, s4;
	s5 =	sand.u32 $0x7C, s6;
	(pc) =	sbr.rel .LBB1_1-.Ltmp0, $4  }
0x8: {  	s1 =	rddreg [dreg:$0x2];
	_ =	strace $0x80000047;
	p0 =	sne.s32 s5, $0x0  }
0x9: {  	s6 =	sshrl.u32 s6, $0x7;
	s5 =	simm.s32 $0x1;
	s7 =	simm.s32 @!p0 $0x0  }
0xa: {  	s10 =	smov.u32 s3;
	[sflag:s5] =	ssyncpa.u1 $0x0;
	s6 =	sadd.s32 s7, s6  }
0xb: {  	[sflag:s8] =	ssyncpa.u1 $0x0;
	s8 =	simm.s32 $0x0;
	s7 =	sadd.s32 $0x1, s6  }
.LBB1_9:
0xc: {  	s14 =	sadd.s32 $0x80, s10  }
0xd: {  	p1 =	sgt.s32 s14, $0x7FF  }
0xe: {  	s14 =	smov.u32 @p1 s3;
	p1 =	sne.s32 s11, s7  }
.Ltmp1:
0xf: {  	p0 =	slt.u32 s11, $0x2;
	(pc) =	sbr.rel @!p1 .LBB1_10-.Ltmp1, $4  }
0x10: {  	s13 =	simm.s32 @!p0 $0x2  }
0x11: {  	s15 =	sadd.s32 $0x1, s11;
	_ =	swait.ge @!p0 [sflag:s13], $0x4000  }
0x12: {  	s12 =	smov.u32 s10;
	s9 =	sadd.s32 $0x4000, s9;
	[sflag:s13] =	ssyncset.done @!p0 $0x0  }
0x13: {  	s11 =	smov.u32 s15;
	s10 =	smov.u32 s14;
	[sflag:s13] =	ssyncadd.s32 @!p0 $0xFFFFC000  }
.LBB1_1:
0x14: {  	p0 =	sge.u32 s11, s6  }
0x15: {  	s13 =	sxor.u32 @!p0 $0xFFFFFFFF, s11  }
0x16: {  	s31 =	sadd.s32 $0xFFFFFFFF, s11;
	s14 =	sshll.u32 @!p0 s10, $0x9;
	s13 =	sshll.u32 @!p0 s13, $0xE  }
0x17: {  	s15 =	simm.s32 @!p0 $0x0;
	s14 =	sadd.s32 @!p0 s2, s14;
	s13 =	sand.u32 @!p0 $0x4000, s13  }
0x18: {  	[tilespmem:s13], [sflag:$0x1] =	stream.linear.gather @!p0 [hbm4b:s14+s15], $0x4000, $0x38;
	[tilespmem:$0x10000] =	vst v63  }
0x19: {  	p0 =	sge.u32 s31, s6  }
.Ltmp2:
0x1a: {  	_ = 	snop;
	(pc) =	sbr.rel @p0 .LBB1_9-.Ltmp2, $1  }
0x1b: {  	_ =	sdelay $0x3  }
0x1c: {  	s14 =	sand.u32 $0x4000, s9  }
0x1d: {  	_ =	swait.ge [sflag:s5], $0x4000;
	s15 =	sshll.u32 s11, $0xE;
	s16 =	simm.s32 $0x0  }
0x1e: {  	s13 =	sor.u32 $0x40, s14;
	[sflag:s5] =	ssyncset.done $0x0;
	s15 =	sand.u32 $0x4000, s15  }
0x1f: {  	s14 =	sor.u32 $0x8040, s14;
	[sflag:s5] =	ssyncadd.s32 $0xFFFFC000;
	s15 =	sor.u32 $0x8000, s15  }
.LBB1_3:
0x20: {  	s17 =	smov.u32 s14;
	s18 =	smov.u32 s13;
	s19 =	simm.s32 $0x0  }
.LBB1_4:
0x21: {  	v0 =	vmov s17;
	v2 =	vld [tilespmem:s18+$0x30]  }
0x22: {  	v4 =	vld [tilespmem:s18+$0xFFFFFFD0]  }
0x23: {  	v6 =	vld [tilespmem:s18+$0xFFFFFFE0]  }
0x24: {  	v7 =	vld [tilespmem:s18+$0xFFFFFFF0]  }
0x25: {  	s20 =	simm.s32 $0x0;
	v1 =	vld [tilespmem:s18+$0x0]  }
0x26: {  	v3 =	vld [tilespmem:s18+$0x10];
	[tilespmem:v0+s20+$0x30 ss:$0x1] =	vst.idx.msk $0xffff, v2  }
0x27: {  	v5 =	vld [tilespmem:s18+$0x20];
	[tilespmem:v0+s20+$0xFFFFFFD0 ss:$0x1] =	vst.idx.msk $0xffff, v4  }
0x28: {  	s21 =	sadd.s32 $0x80, s18;
	v2 =	vld [tilespmem:s18+$0xFFFFFFC0];
	[tilespmem:v0+s20+$0xFFFFFFE0 ss:$0x1] =	vst.idx.msk $0xffff, v6  }
0x29: {  	s22 =	simm.s32 $0x800;
	s23 =	simm.s32 $0x1000;
	v4 =	vld [tilespmem:s21+$0x30];
	[tilespmem:v0+s20+$0xFFFFFFF0 ss:$0x1] =	vst.idx.msk $0xffff, v7  }
.LBB1_5:
0x2a: {  	p0 =	sne.s32 s23, $0x3800;
	v6 =	vld [tilespmem:s21+$0xFFFFFFD0];
	[tilespmem:v0+s20+$0x0 ss:$0x1] =	vst.idx.msk $0xffff, v1  }
0x2b: {  	v7 =	vld [tilespmem:s21+$0xFFFFFFE0];
	[tilespmem:v0+s20+$0x10 ss:$0x1] =	vst.idx.msk $0xffff, v3  }
0x2c: {  	v8 =	vld [tilespmem:s21+$0xFFFFFFF0];
	[tilespmem:v0+s20+$0x20 ss:$0x1] =	vst.idx.msk $0xffff, v5  }
.Ltmp3:
0x2d: {  	v1 =	vld [tilespmem:s21+$0x0];
	[tilespmem:v0+s20+$0xFFFFFFC0 ss:$0x1] =	vst.idx.msk $0xffff, v2;
	s20 =	sshra.s32 s22, $0x2;
	s22 =	smov.u32 s23;
	(pc) =	sbr.rel @p0 .LBB1_5-.Ltmp3, $4  }
0x2e: {  	v3 =	vld [tilespmem:s21+$0x10];
	[tilespmem:v0+s20+$0x30 ss:$0x1] =	vst.idx.msk $0xffff, v4  }
0x2f: {  	[tilespmem:v0+s20+$0xFFFFFFD0 ss:$0x1] =	vst.idx.msk $0xffff, v6;
	v5 =	vld [tilespmem:s21+$0x20]  }
0x30: {  	v2 =	vld [tilespmem:s21+$0xFFFFFFC0];
	[tilespmem:v0+s20+$0xFFFFFFE0 ss:$0x1] =	vst.idx.msk $0xffff, v7;
	s21 =	sadd.s32 $0x80, s21  }
0x31: {  	s23 =	sadd.s32 $0x800, s23;
	v4 =	vld [tilespmem:s21+$0x30];
	[tilespmem:v0+s20+$0xFFFFFFF0 ss:$0x1] =	vst.idx.msk $0xffff, v8  }
0x32: {  	_ =	sdelay $0x3  }
0x33: {  	v6 =	vld [tilespmem:s21+$0xFFFFFFD0];
	[tilespmem:v0+s20+$0x0 ss:$0x1] =	vst.idx.msk $0xffff, v1  }
0x34: {  	v58 =	vld [tilespmem:s21+$0xFFFFFFE0];
	[tilespmem:v0+s20+$0x10 ss:$0x1] =	vst.idx.msk $0xffff, v3  }
0x35: {  	v59 =	vld [tilespmem:s21+$0xFFFFFFF0];
	[tilespmem:v0+s20+$0x20 ss:$0x1] =	vst.idx.msk $0xffff, v5  }
0x36: {  	s22 =	sshra.s32 s22, $0x2;
	v60 =	vld [tilespmem:s21+$0x0];
	[tilespmem:v0+s20+$0xFFFFFFC0 ss:$0x1] =	vst.idx.msk $0xffff, v2  }
0x37: {  	v61 =	vld [tilespmem:s21+$0x10];
	[tilespmem:v0+s22+$0x30 ss:$0x1] =	vst.idx.msk $0xffff, v4  }
0x38: {  	v62 =	vld [tilespmem:s21+$0x20];
	s19 =	sadd.s32 $0x1, s19;
	[tilespmem:v0+s22+$0xFFFFFFD0 ss:$0x1] =	vst.idx.msk $0xffff, v6  }
0x39: {  	v63 =	vld [tilespmem:s21+$0xFFFFFFC0];
	p0 =	sne.s32 s19, $0x4;
	[tilespmem:v0+s22+$0xFFFFFFE0 ss:$0x1] =	vst.idx.msk $0xffff, v58  }
.Ltmp4:
0x3a: {  	[tilespmem:v0+s22+$0xFFFFFFF0 ss:$0x1] =	vst.idx.msk $0xffff, v59;
	(pc) =	sbr.rel @p0 .LBB1_4-.Ltmp4, $4  }
0x3b: {  	[tilespmem:v0+s22+$0x0 ss:$0x1] =	vst.idx.msk $0xffff, v60  }
0x3c: {  	[tilespmem:v0+s22+$0x10 ss:$0x1] =	vst.idx.msk $0xffff, v61  }
0x3d: {  	[tilespmem:v0+s22+$0x20 ss:$0x1] =	vst.idx.msk $0xffff, v62  }
0x3e: {  	s18 =	sadd.s32 $0x400, s18;
	s17 =	sadd.s32 $0x80, s17;
	[tilespmem:v0+s22+$0xFFFFFFC0 ss:$0x1] =	vst.idx.msk $0xffff, v63  }
0x3f: {  	s16 =	sadd.s32 $0x1, s16  }
0x40: {  	p0 =	sne.s32 s16, $0x4  }
.Ltmp5:
0x41: {  	_ = 	snop;
	(pc) =	sbr.rel @p0 .LBB1_3-.Ltmp5, $2  }
0x42: {  	_ =	sdelay $0x2  }
0x43: {  	s13 =	sadd.s32 $0x1000, s13;
	s14 =	sadd.s32 $0x1000, s14  }
.Ltmp6:
0x44: {  	(pc) =	sbr.rel .LBB1_9-.Ltmp6, $4  }
0x45: {  	_ = 	snop  }
0x46: {  	s12 =	sshll.u32 s12, $0x9  }
0x47: {  	s12 =	sadd.s32 s4, s12  }
0x48: {  	[hbm4b:s12+s8] =	stream.linear.scatter [tilespmem:s15], [sflag:$0x2], $0x4000, $0x38;
	[tilespmem:$0x10000] =	vst v63  }
.LBB1_10:
0x49: {  	_ =	sfence.sel $0x180000  }
0x4a: {  	s2 =	simm.s32 $0x1;
	[bflag:$0x0] =	sbarrier.arrive $0xFFFF  }
0x4b: {  	s31 =	simm.s32 $0x2;
	[sflag:s2] =	ssyncpa.u1 $0x1  }
0x4c: {  	[sflag:s31] =	ssyncpa.u1 $0x1  }
0x4d: {  	p0 =	sne.s32 s0, $0x0;
	_ =	strace $0x90000047  }
0x4e: {  	s0 =	sadd.s32 @!p0 $0x100000, s1;
	[bflag:$0x2] =	sbarrier.arrive $0xFFFF  }
0x4f: {  	[sflag:s0] =	ssyncadd.tile.s32 @!p0 $0x1;
	_ =	shalt  }
.Lfunc_end1:
_tile_overlayer_lowered:
.L_overlay_start_2:
0x50: {  	(tag) =	ssettag $0x2  }
0x51: {  	s0 =	rddreg [dreg:$0x0];
	s2 =	stileid.u32  }
0x52: {  	s1 =	rddreg [dreg:$0x1];
	p0 =	sne.s32 s2, $0x0  }
0x53: {  	s3 =	rddreg [dreg:$0x2];
	[bflag:$0x3] =	sbarrier.arrive $0xFFFF;
	s2 =	simm.s32 @!p0 $0x1C01  }
0x54: {  	[timem:s3], [sflag:s2] =	dma.local @!p0 [hbm:s0], s1  }
0x55: {  	s0 =	simm.s32 @!p0 $0x1  }
0x56: {  	_ =	swait.ge @!p0 [sflag:s0], s1  }
0x57: {  	s1 =	ssub.s32 @!p0 $0x0, s1;
	[sflag:s0] =	ssyncset.done @!p0 $0x0  }
0x58: {  	[sflag:s0] =	ssyncadd.s32 @!p0 s1  }
0x59: {  	[bflag:$0x3] =	sbarrier.arrive $0xFFFF  }
0x5a: {  	_ =	shalt  }

</sc_bundles>
